<compile_context>
chip_gen: v7x
topology: tpu7x:2x2x1
jax: 0.10.2.dev20260603
libtpu: 0.0.44.dev20260713+nightly
codegen_flags: <defaults>
</compile_context>

<pallas_src>
import functools

import jax
import jax.numpy as jnp
from jax import lax
from jax.experimental import pallas as pl
from jax.experimental.pallas import tpu as pltpu
from jax.experimental.pallas import tpu_sc as plsc

NUM = 1000000
K = 16
BATCH = 16384

NUM_CORES = 2
NUM_SUBCORES = 16
NUM_WORKERS = NUM_CORES * NUM_SUBCORES
BPW = BATCH // NUM_WORKERS
CHUNK = 128
NCT = (NUM + 127) // 128
NTILES = 2 * NCT
SPAN = (NCT + 15) // 16
UNITROWS = NTILES * 64
UPF = NCT * 8

_mesh = plsc.VectorSubcoreMesh(core_axis_name="c", subcore_axis_name="s")


@functools.partial(
    pl.kernel,
    mesh=_mesh,
    out_type=jax.ShapeDtypeStruct((2, 8, NCT * 128), jnp.float32),
    scratch_types=[
        pltpu.VMEM((2, 8, 16 * 128), jnp.float32),
        pltpu.SemaphoreType.DMA((2,)),
        pltpu.SemaphoreType.DMA,
    ],
    compiler_params=pltpu.CompilerParams(needs_layout_passes=False),
)
def _relayout(table_t_hbm, lin_hbm, buf_v, sem_in, sem_out):
    wid = lax.axis_index("s") * NUM_CORES + lax.axis_index("c")
    h = wid // 16
    j0 = (wid % 16) * SPAN
    NCH = (SPAN + 15) // 16

    def refs(ch, b):
        jc = jnp.minimum(j0 + ch * 16, NCT - 16)
        src = table_t_hbm.at[
            pl.ds(pl.multiple_of(h * 8, 8), 8),
            pl.ds(pl.multiple_of(jc * 128, 128), 16 * 128),
        ]
        dst = lin_hbm.at[h, :, pl.ds(pl.multiple_of(jc * 128, 128), 16 * 128)]
        return src, dst, buf_v.at[b], sem_in.at[b]

    s0, _, b0, sm0 = refs(0, 0)
    pltpu.make_async_copy(s0, b0, sm0).start()

    def chunk(ch, carry):
        @pl.when(ch + 1 < NCH)
        def _():
            s, _, b, sm = refs(ch + 1, (ch + 1) & 1)
            pltpu.make_async_copy(s, b, sm).start()

        s, d, b, sm = refs(ch, ch & 1)
        pltpu.make_async_copy(s, b, sm).wait()
        cp = pltpu.make_async_copy(b, d, sem_out)
        cp.start()
        cp.wait()
        return carry

    lax.fori_loop(0, NCH, chunk, 0)


@functools.partial(
    pl.kernel,
    mesh=_mesh,
    out_type=jax.ShapeDtypeStruct((K, BATCH), jnp.float32),
    scratch_types=[
        pltpu.VMEM((BPW,), jnp.int32),
        pltpu.VMEM((K * CHUNK,), jnp.int32),
        pltpu.VMEM((K * CHUNK, 16), jnp.float32),
        pltpu.VMEM((K, BPW), jnp.float32),
        pltpu.SemaphoreType.DMA,
    ],
    compiler_params=pltpu.CompilerParams(
        needs_layout_passes=False, use_tc_tiling_on_sc=False),
)
def _lookup_softmax(uid_hbm, tbl_hbm, out_t_hbm, idx_v, gidx_v, gbuf_v,
                    res_v, sem):
    wid = lax.axis_index("s") * NUM_CORES + lax.axis_index("c")
    base = wid * BPW
    pltpu.sync_copy(uid_hbm.at[pl.ds(base, BPW)], idx_v)

    lanes = lax.iota(jnp.int32, 16)

    def chunk_body(c, carry):
        def build(bb, carry2):
            uvec = idx_v[pl.ds(c * CHUNK + bb * 16, 16)]
            tvec = uvec >> 4
            for f in range(K):
                off = f * UPF
                gidx_v[pl.ds(f * CHUNK + bb * 16, 16)] = tvec + off
            return carry2

        lax.fori_loop(0, CHUNK // 16, build, 0)
        pltpu.async_copy(tbl_hbm.at[gidx_v], gbuf_v, sem).wait()

        def soft(bb, carry2):
            uvec = idx_v[pl.ds(c * CHUNK + bb * 16, 16)]
            umod = uvec & 15
            rows = bb * 16 + lanes
            cols = [
                plsc.load_gather(gbuf_v, [rows + f * CHUNK, umod])
                for f in range(K)
            ]
            m = cols[0]
            for f in range(1, K):
                m = jnp.maximum(m, cols[f])
            es = [jnp.exp(x - m) for x in cols]
            s = es[0]
            for f in range(1, K):
                s = s + es[f]
            inv = 1.0 / s
            ocol = c * CHUNK + bb * 16 + lanes
            for f in range(K):
                plsc.store_scatter(
                    res_v, [jnp.full((16,), f, jnp.int32), ocol], es[f] * inv)
            return carry2

        lax.fori_loop(0, CHUNK // 16, soft, 0)
        return carry

    lax.fori_loop(0, BPW // CHUNK, chunk_body, 0)

    for h in range(2):
        pltpu.sync_copy(res_v.at[pl.ds(h * 8, 8), :],
                        out_t_hbm.at[pl.ds(h * 8, 8), pl.ds(base, BPW)])


def kernel(uid, matrix):
    lin = _relayout(matrix.T)
    out_t = _lookup_softmax(uid.astype(jnp.int32), lin.reshape(UNITROWS, K))
    return out_t.T

# --- scband reference (transcript-rebuilt; emitter-appended) ---
"""Pipeline reference for scband-learnable-matrix-41171556500133 (READ-ONLY COPY).

The authoritative reference and input builder live on the scoring server;
editing this copy changes nothing except your own understanding.
"""

import jax, jax.numpy as jnp
import numpy as np

NUM = 1000000
K = 16
BATCH = 16384

def setup_inputs(seed: int = 0) -> dict:
    key = jax.random.key(seed)
    k1, k2 = jax.random.split(key)
    uid = jax.random.randint(k1, (BATCH,), 0, NUM, dtype=jnp.int64 if jax.config.jax_enable_x64 else jnp.int32)
    matrix = jax.random.uniform(k2, (NUM, K), dtype=jnp.float32)
    return {"uid": uid, "matrix": matrix}

def reference(uid, matrix):
    # gather rows of the learnable matrix (embedding lookup)
    rows = jnp.take(matrix, uid, axis=0)
    # softmax along dim=1
    out = jax.nn.softmax(rows, axis=1)
    return out

if __name__ == "__main__":
    import jax
    _d = setup_inputs()
    print(jax.jit(kernel)(*tuple(_d.values())))

</pallas_src>

<mosaic_0001>
#map = affine_map<(d0, d1) -> (0)>
#map1 = affine_map<(d0, d1) -> (0, 0)>
module attributes {stable_mosaic.version = 14 : i64} {
  func.func @_lookup_softmax(%arg0: i32, %arg1: i32, %arg2: memref<16384xi32, #tpu.memory_space<hbm>>, %arg3: memref<1000064x16xf32, #tpu.memory_space<hbm>>, %arg4: memref<16x16384xf32, #tpu.memory_space<hbm>>, %arg5: memref<512xi32, #tpu.memory_space<vmem>>, %arg6: memref<2048xi32, #tpu.memory_space<vmem>>, %arg7: memref<2048x16xf32, #tpu.memory_space<vmem>>, %arg8: memref<16x512xf32, #tpu.memory_space<vmem>>, %arg9: memref<!tpu.dma_semaphore, #tpu.memory_space<semaphore_mem>>) attributes {dimension_semantics = [#tpu.dimension_semantics<core_parallel>, #tpu.dimension_semantics<subcore_parallel>], iteration_bounds = array<i64: 2, 16>, scalar_prefetch = 0 : i64, scratch_operands = 5 : i64, tpu.core_type = #tpu.core_type<sc_vector_subcore>, window_params = [{transform_indices = #map}, {transform_indices = #map1}, {transform_indices = #map1}]} {
    %mul3A = arith.constant 2 : i32
    %mul3A_0 = arith.muli %arg1, %mul3A : i32
    %add3A = arith.addi %mul3A_0, %arg0 : i32
    %mul3A_1 = arith.constant 512 : i32
    %mul3A_2 = arith.muli %add3A, %mul3A_1 : i32
    "tpu.region"() ({
      %run_scoped3A = tpu.sem_alloc : memref<!tpu.dma_semaphore, #tpu.memory_space<semaphore_mem>>
      %dma_start3A = tpu.memref_slice %arg2[%mul3A_2] : memref<16384xi32, #tpu.memory_space<hbm>> -> memref<512xi32, #tpu.memory_space<hbm>>
      %dma_start3A_8 = tpu.memref_slice %arg2[%mul3A_2] : memref<16384xi32, #tpu.memory_space<hbm>> -> memref<512xi32, #tpu.memory_space<hbm>>
      tpu.enqueue_dma source(%dma_start3A_8 : memref<512xi32, #tpu.memory_space<hbm>>) target(%arg5 : memref<512xi32, #tpu.memory_space<vmem>>) target_semaphore(%run_scoped3A : memref<!tpu.dma_semaphore, #tpu.memory_space<semaphore_mem>>)
      %dma_wait3A = tpu.memref_slice %arg2[%mul3A_2] : memref<16384xi32, #tpu.memory_space<hbm>> -> memref<512xi32, #tpu.memory_space<hbm>>
      %dma_wait3A_9 = tpu.memref_slice %arg2[%mul3A_2] : memref<16384xi32, #tpu.memory_space<hbm>> -> memref<512xi32, #tpu.memory_space<hbm>>
      tpu.wait_dma2 semaphore(%run_scoped3A : memref<!tpu.dma_semaphore, #tpu.memory_space<semaphore_mem>>) src(%dma_wait3A_9 : memref<512xi32, #tpu.memory_space<hbm>>) dst(%arg5 : memref<512xi32, #tpu.memory_space<vmem>>)
      tpu.yield
    }) : () -> ()
    %iota3A = tpu.iota {dimensions = array<i32: 0>} : vector<16xi32>
    %scan3A = arith.constant 0 : i32
    %scan3A_3 = arith.constant 0 : i32
    %scan3A_4 = arith.constant 4 : i32
    %scan3A_5 = arith.addi %scan3A_3, %scan3A_4 : i32
    %scan3A_6 = arith.constant 1 : i32
    scf.for %scan3A_8 = %scan3A_3 to %scan3A_5 step %scan3A_6  : i32 {
      %scan3A_9 = arith.constant 0 : i32
      %scan3A_10 = arith.constant 0 : i32
      %scan3A_11 = arith.constant 8 : i32
      %scan3A_12 = arith.addi %scan3A_10, %scan3A_11 : i32
      %scan3A_13 = arith.constant 1 : i32
      scf.for %scan3A_25 = %scan3A_10 to %scan3A_12 step %scan3A_13  : i32 {
        %mul3A_26 = arith.constant 128 : i32
        %mul3A_27 = arith.muli %scan3A_8, %mul3A_26 : i32
        %mul3A_28 = arith.constant 16 : i32
        %mul3A_29 = arith.muli %scan3A_25, %mul3A_28 : i32
        %add3A_30 = arith.addi %mul3A_27, %mul3A_29 : i32
        %get3A = arith.index_cast %add3A_30 : i32 to index
        %get3A_31 = tpu.vector_load %arg5[%get3A] {strides = array<i32>} : memref<512xi32, #tpu.memory_space<vmem>>, vector<16xi32>,
        %shift_right_arithmetic3A = arith.constant 4 : i32
        %shift_right_arithmetic3A_32 = vector.broadcast %shift_right_arithmetic3A : i32 to vector<16xi32>
        %shift_right_arithmetic3A_33 = arith.shrsi %get3A_31, %shift_right_arithmetic3A_32 : vector<16xi32>
        %add3A_34 = arith.constant 0 : i32
        %add3A_35 = vector.broadcast %add3A_34 : i32 to vector<16xi32>
        %add3A_36 = arith.addi %shift_right_arithmetic3A_33, %add3A_35 : vector<16xi32>
        %mul3A_37 = arith.constant 16 : i32
        %mul3A_38 = arith.muli %scan3A_25, %mul3A_37 : i32
        %add3A_39 = arith.constant 0 : i32
        %add3A_40 = arith.addi %add3A_39, %mul3A_38 : i32
        %swap3A = arith.index_cast %add3A_40 : i32 to index
        %swap3A_41 = tpu.vector_load %arg6[%swap3A] {strides = array<i32>} : memref<2048xi32, #tpu.memory_space<vmem>>, vector<16xi32>,
        tpu.vector_store %arg6[%swap3A], %add3A_36 {strides = array<i32>} : memref<2048xi32, #tpu.memory_space<vmem>>, vector<16xi32>,
        %add3A_42 = arith.constant 62504 : i32
        %add3A_43 = vector.broadcast %add3A_42 : i32 to vector<16xi32>
        %add3A_44 = arith.addi %shift_right_arithmetic3A_33, %add3A_43 : vector<16xi32>
        %mul3A_45 = arith.constant 16 : i32
        %mul3A_46 = arith.muli %scan3A_25, %mul3A_45 : i32
        %add3A_47 = arith.constant 128 : i32
        %add3A_48 = arith.addi %add3A_47, %mul3A_46 : i32
        %swap3A_49 = arith.index_cast %add3A_48 : i32 to index
        %swap3A_50 = tpu.vector_load %arg6[%swap3A_49] {strides = array<i32>} : memref<2048xi32, #tpu.memory_space<vmem>>, vector<16xi32>,
        tpu.vector_store %arg6[%swap3A_49], %add3A_44 {strides = array<i32>} : memref<2048xi32, #tpu.memory_space<vmem>>, vector<16xi32>,
        %add3A_51 = arith.constant 125008 : i32
        %add3A_52 = vector.broadcast %add3A_51 : i32 to vector<16xi32>
        %add3A_53 = arith.addi %shift_right_arithmetic3A_33, %add3A_52 : vector<16xi32>
        %mul3A_54 = arith.constant 16 : i32
        %mul3A_55 = arith.muli %scan3A_25, %mul3A_54 : i32
        %add3A_56 = arith.constant 256 : i32
        %add3A_57 = arith.addi %add3A_56, %mul3A_55 : i32
        %swap3A_58 = arith.index_cast %add3A_57 : i32 to index
        %swap3A_59 = tpu.vector_load %arg6[%swap3A_58] {strides = array<i32>} : memref<2048xi32, #tpu.memory_space<vmem>>, vector<16xi32>,
        tpu.vector_store %arg6[%swap3A_58], %add3A_53 {strides = array<i32>} : memref<2048xi32, #tpu.memory_space<vmem>>, vector<16xi32>,
        %add3A_60 = arith.constant 187512 : i32
        %add3A_61 = vector.broadcast %add3A_60 : i32 to vector<16xi32>
        %add3A_62 = arith.addi %shift_right_arithmetic3A_33, %add3A_61 : vector<16xi32>
        %mul3A_63 = arith.constant 16 : i32
        %mul3A_64 = arith.muli %scan3A_25, %mul3A_63 : i32
        %add3A_65 = arith.constant 384 : i32
        %add3A_66 = arith.addi %add3A_65, %mul3A_64 : i32
        %swap3A_67 = arith.index_cast %add3A_66 : i32 to index
        %swap3A_68 = tpu.vector_load %arg6[%swap3A_67] {strides = array<i32>} : memref<2048xi32, #tpu.memory_space<vmem>>, vector<16xi32>,
        tpu.vector_store %arg6[%swap3A_67], %add3A_62 {strides = array<i32>} : memref<2048xi32, #tpu.memory_space<vmem>>, vector<16xi32>,
        %add3A_69 = arith.constant 250016 : i32
        %add3A_70 = vector.broadcast %add3A_69 : i32 to vector<16xi32>
        %add3A_71 = arith.addi %shift_right_arithmetic3A_33, %add3A_70 : vector<16xi32>
        %mul3A_72 = arith.constant 16 : i32
        %mul3A_73 = arith.muli %scan3A_25, %mul3A_72 : i32
        %add3A_74 = arith.constant 512 : i32
        %add3A_75 = arith.addi %add3A_74, %mul3A_73 : i32
        %swap3A_76 = arith.index_cast %add3A_75 : i32 to index
        %swap3A_77 = tpu.vector_load %arg6[%swap3A_76] {strides = array<i32>} : memref<2048xi32, #tpu.memory_space<vmem>>, vector<16xi32>,
        tpu.vector_store %arg6[%swap3A_76], %add3A_71 {strides = array<i32>} : memref<2048xi32, #tpu.memory_space<vmem>>, vector<16xi32>,
        %add3A_78 = arith.constant 312520 : i32
        %add3A_79 = vector.broadcast %add3A_78 : i32 to vector<16xi32>
        %add3A_80 = arith.addi %shift_right_arithmetic3A_33, %add3A_79 : vector<16xi32>
        %mul3A_81 = arith.constant 16 : i32
        %mul3A_82 = arith.muli %scan3A_25, %mul3A_81 : i32
        %add3A_83 = arith.constant 640 : i32
        %add3A_84 = arith.addi %add3A_83, %mul3A_82 : i32
        %swap3A_85 = arith.index_cast %add3A_84 : i32 to index
        %swap3A_86 = tpu.vector_load %arg6[%swap3A_85] {strides = array<i32>} : memref<2048xi32, #tpu.memory_space<vmem>>, vector<16xi32>,
        tpu.vector_store %arg6[%swap3A_85], %add3A_80 {strides = array<i32>} : memref<2048xi32, #tpu.memory_space<vmem>>, vector<16xi32>,
        %add3A_87 = arith.constant 375024 : i32
        %add3A_88 = vector.broadcast %add3A_87 : i32 to vector<16xi32>
        %add3A_89 = arith.addi %shift_right_arithmetic3A_33, %add3A_88 : vector<16xi32>
        %mul3A_90 = arith.constant 16 : i32
        %mul3A_91 = arith.muli %scan3A_25, %mul3A_90 : i32
        %add3A_92 = arith.constant 768 : i32
        %add3A_93 = arith.addi %add3A_92, %mul3A_91 : i32
        %swap3A_94 = arith.index_cast %add3A_93 : i32 to index
        %swap3A_95 = tpu.vector_load %arg6[%swap3A_94] {strides = array<i32>} : memref<2048xi32, #tpu.memory_space<vmem>>, vector<16xi32>,
        tpu.vector_store %arg6[%swap3A_94], %add3A_89 {strides = array<i32>} : memref<2048xi32, #tpu.memory_space<vmem>>, vector<16xi32>,
        %add3A_96 = arith.constant 437528 : i32
        %add3A_97 = vector.broadcast %add3A_96 : i32 to vector<16xi32>
        %add3A_98 = arith.addi %shift_right_arithmetic3A_33, %add3A_97 : vector<16xi32>
        %mul3A_99 = arith.constant 16 : i32
        %mul3A_100 = arith.muli %scan3A_25, %mul3A_99 : i32
        %add3A_101 = arith.constant 896 : i32
        %add3A_102 = arith.addi %add3A_101, %mul3A_100 : i32
        %swap3A_103 = arith.index_cast %add3A_102 : i32 to index
        %swap3A_104 = tpu.vector_load %arg6[%swap3A_103] {strides = array<i32>} : memref<2048xi32, #tpu.memory_space<vmem>>, vector<16xi32>,
        tpu.vector_store %arg6[%swap3A_103], %add3A_98 {strides = array<i32>} : memref<2048xi32, #tpu.memory_space<vmem>>, vector<16xi32>,
        %add3A_105 = arith.constant 500032 : i32
        %add3A_106 = vector.broadcast %add3A_105 : i32 to vector<16xi32>
        %add3A_107 = arith.addi %shift_right_arithmetic3A_33, %add3A_106 : vector<16xi32>
        %mul3A_108 = arith.constant 16 : i32
        %mul3A_109 = arith.muli %scan3A_25, %mul3A_108 : i32
        %add3A_110 = arith.constant 1024 : i32
        %add3A_111 = arith.addi %add3A_110, %mul3A_109 : i32
        %swap3A_112 = arith.index_cast %add3A_111 : i32 to index
        %swap3A_113 = tpu.vector_load %arg6[%swap3A_112] {strides = array<i32>} : memref<2048xi32, #tpu.memory_space<vmem>>, vector<16xi32>,
        tpu.vector_store %arg6[%swap3A_112], %add3A_107 {strides = array<i32>} : memref<2048xi32, #tpu.memory_space<vmem>>, vector<16xi32>,
        %add3A_114 = arith.constant 562536 : i32
        %add3A_115 = vector.broadcast %add3A_114 : i32 to vector<16xi32>
        %add3A_116 = arith.addi %shift_right_arithmetic3A_33, %add3A_115 : vector<16xi32>
        %mul3A_117 = arith.constant 16 : i32
        %mul3A_118 = arith.muli %scan3A_25, %mul3A_117 : i32
        %add3A_119 = arith.constant 1152 : i32
        %add3A_120 = arith.addi %add3A_119, %mul3A_118 : i32
        %swap3A_121 = arith.index_cast %add3A_120 : i32 to index
        %swap3A_122 = tpu.vector_load %arg6[%swap3A_121] {strides = array<i32>} : memref<2048xi32, #tpu.memory_space<vmem>>, vector<16xi32>,
        tpu.vector_store %arg6[%swap3A_121], %add3A_116 {strides = array<i32>} : memref<2048xi32, #tpu.memory_space<vmem>>, vector<16xi32>,
        %add3A_123 = arith.constant 625040 : i32
        %add3A_124 = vector.broadcast %add3A_123 : i32 to vector<16xi32>
        %add3A_125 = arith.addi %shift_right_arithmetic3A_33, %add3A_124 : vector<16xi32>
        %mul3A_126 = arith.constant 16 : i32
        %mul3A_127 = arith.muli %scan3A_25, %mul3A_126 : i32
        %add3A_128 = arith.constant 1280 : i32
        %add3A_129 = arith.addi %add3A_128, %mul3A_127 : i32
        %swap3A_130 = arith.index_cast %add3A_129 : i32 to index
        %swap3A_131 = tpu.vector_load %arg6[%swap3A_130] {strides = array<i32>} : memref<2048xi32, #tpu.memory_space<vmem>>, vector<16xi32>,
        tpu.vector_store %arg6[%swap3A_130], %add3A_125 {strides = array<i32>} : memref<2048xi32, #tpu.memory_space<vmem>>, vector<16xi32>,
        %add3A_132 = arith.constant 687544 : i32
        %add3A_133 = vector.broadcast %add3A_132 : i32 to vector<16xi32>
        %add3A_134 = arith.addi %shift_right_arithmetic3A_33, %add3A_133 : vector<16xi32>
        %mul3A_135 = arith.constant 16 : i32
        %mul3A_136 = arith.muli %scan3A_25, %mul3A_135 : i32
        %add3A_137 = arith.constant 1408 : i32
        %add3A_138 = arith.addi %add3A_137, %mul3A_136 : i32
        %swap3A_139 = arith.index_cast %add3A_138 : i32 to index
        %swap3A_140 = tpu.vector_load %arg6[%swap3A_139] {strides = array<i32>} : memref<2048xi32, #tpu.memory_space<vmem>>, vector<16xi32>,
        tpu.vector_store %arg6[%swap3A_139], %add3A_134 {strides = array<i32>} : memref<2048xi32, #tpu.memory_space<vmem>>, vector<16xi32>,
        %add3A_141 = arith.constant 750048 : i32
        %add3A_142 = vector.broadcast %add3A_141 : i32 to vector<16xi32>
        %add3A_143 = arith.addi %shift_right_arithmetic3A_33, %add3A_142 : vector<16xi32>
        %mul3A_144 = arith.constant 16 : i32
        %mul3A_145 = arith.muli %scan3A_25, %mul3A_144 : i32
        %add3A_146 = arith.constant 1536 : i32
        %add3A_147 = arith.addi %add3A_146, %mul3A_145 : i32
        %swap3A_148 = arith.index_cast %add3A_147 : i32 to index
        %swap3A_149 = tpu.vector_load %arg6[%swap3A_148] {strides = array<i32>} : memref<2048xi32, #tpu.memory_space<vmem>>, vector<16xi32>,
        tpu.vector_store %arg6[%swap3A_148], %add3A_143 {strides = array<i32>} : memref<2048xi32, #tpu.memory_space<vmem>>, vector<16xi32>,
        %add3A_150 = arith.constant 812552 : i32
        %add3A_151 = vector.broadcast %add3A_150 : i32 to vector<16xi32>
        %add3A_152 = arith.addi %shift_right_arithmetic3A_33, %add3A_151 : vector<16xi32>
        %mul3A_153 = arith.constant 16 : i32
        %mul3A_154 = arith.muli %scan3A_25, %mul3A_153 : i32
        %add3A_155 = arith.constant 1664 : i32
        %add3A_156 = arith.addi %add3A_155, %mul3A_154 : i32
        %swap3A_157 = arith.index_cast %add3A_156 : i32 to index
        %swap3A_158 = tpu.vector_load %arg6[%swap3A_157] {strides = array<i32>} : memref<2048xi32, #tpu.memory_space<vmem>>, vector<16xi32>,
        tpu.vector_store %arg6[%swap3A_157], %add3A_152 {strides = array<i32>} : memref<2048xi32, #tpu.memory_space<vmem>>, vector<16xi32>,
        %add3A_159 = arith.constant 875056 : i32
        %add3A_160 = vector.broadcast %add3A_159 : i32 to vector<16xi32>
        %add3A_161 = arith.addi %shift_right_arithmetic3A_33, %add3A_160 : vector<16xi32>
        %mul3A_162 = arith.constant 16 : i32
        %mul3A_163 = arith.muli %scan3A_25, %mul3A_162 : i32
        %add3A_164 = arith.constant 1792 : i32
        %add3A_165 = arith.addi %add3A_164, %mul3A_163 : i32
        %swap3A_166 = arith.index_cast %add3A_165 : i32 to index
        %swap3A_167 = tpu.vector_load %arg6[%swap3A_166] {strides = array<i32>} : memref<2048xi32, #tpu.memory_space<vmem>>, vector<16xi32>,
        tpu.vector_store %arg6[%swap3A_166], %add3A_161 {strides = array<i32>} : memref<2048xi32, #tpu.memory_space<vmem>>, vector<16xi32>,
        %add3A_168 = arith.constant 937560 : i32
        %add3A_169 = vector.broadcast %add3A_168 : i32 to vector<16xi32>
        %add3A_170 = arith.addi %shift_right_arithmetic3A_33, %add3A_169 : vector<16xi32>
        %mul3A_171 = arith.constant 16 : i32
        %mul3A_172 = arith.muli %scan3A_25, %mul3A_171 : i32
        %add3A_173 = arith.constant 1920 : i32
        %add3A_174 = arith.addi %add3A_173, %mul3A_172 : i32
        %swap3A_175 = arith.index_cast %add3A_174 : i32 to index
        %swap3A_176 = tpu.vector_load %arg6[%swap3A_175] {strides = array<i32>} : memref<2048xi32, #tpu.memory_space<vmem>>, vector<16xi32>,
        tpu.vector_store %arg6[%swap3A_175], %add3A_170 {strides = array<i32>} : memref<2048xi32, #tpu.memory_space<vmem>>, vector<16xi32>,
      }
      %scan3A_14 = arith.constant 8 : i32
      %dma_start3A = arith.constant 0 : i32
      %dma_start3A_15 = arith.constant 0 : i32
      %dma_start3A_16 = tpu.memref_slice %arg3[%dma_start3A, %dma_start3A_15] : memref<1000064x16xf32, #tpu.memory_space<hbm>> -> memref<1000064x16xf32, #tpu.memory_space<hbm>>
      tpu.enqueue_indirect_dma source(%dma_start3A_16 : memref<1000064x16xf32, #tpu.memory_space<hbm>>) target(%arg7 : memref<2048x16xf32, #tpu.memory_space<vmem>>) offsets(%arg6 : memref<2048xi32, #tpu.memory_space<vmem>>) semaphore(%arg9 : memref<!tpu.dma_semaphore, #tpu.memory_space<semaphore_mem>>)
      %dma_wait3A = arith.constant 0 : i32
      %dma_wait3A_17 = arith.constant 0 : i32
      %dma_wait3A_18 = tpu.memref_slice %arg3[%dma_wait3A, %dma_wait3A_17] : memref<1000064x16xf32, #tpu.memory_space<hbm>> -> memref<1000064x16xf32, #tpu.memory_space<hbm>>
      tpu.wait_indirect_dma semaphore(%arg9 : memref<!tpu.dma_semaphore, #tpu.memory_space<semaphore_mem>>) src(%dma_wait3A_18 : memref<1000064x16xf32, #tpu.memory_space<hbm>>) dst(%arg7 : memref<2048x16xf32, #tpu.memory_space<vmem>>)
      %scan3A_19 = arith.constant 0 : i32
      %scan3A_20 = arith.constant 0 : i32
      %scan3A_21 = arith.constant 8 : i32
      %scan3A_22 = arith.addi %scan3A_20, %scan3A_21 : i32
      %scan3A_23 = arith.constant 1 : i32
      scf.for %scan3A_25 = %scan3A_20 to %scan3A_22 step %scan3A_23  : i32 {
        %mul3A_26 = arith.constant 128 : i32
        %mul3A_27 = arith.muli %scan3A_8, %mul3A_26 : i32
        %mul3A_28 = arith.constant 16 : i32
        %mul3A_29 = arith.muli %scan3A_25, %mul3A_28 : i32
        %add3A_30 = arith.addi %mul3A_27, %mul3A_29 : i32
        %get3A = arith.index_cast %add3A_30 : i32 to index
        %get3A_31 = tpu.vector_load %arg5[%get3A] {strides = array<i32>} : memref<512xi32, #tpu.memory_space<vmem>>, vector<16xi32>,
        %and3A = arith.constant 15 : i32
        %and3A_32 = vector.broadcast %and3A : i32 to vector<16xi32>
        %and3A_33 = arith.andi %get3A_31, %and3A_32 : vector<16xi32>
        %mul3A_34 = arith.constant 16 : i32
        %mul3A_35 = arith.muli %scan3A_25, %mul3A_34 : i32
        %add3A_36 = vector.broadcast %mul3A_35 : i32 to vector<16xi32>
        %add3A_37 = arith.addi %add3A_36, %iota3A : vector<16xi32>
        %add3A_38 = arith.constant 0 : i32
        %add3A_39 = vector.broadcast %add3A_38 : i32 to vector<16xi32>
        %add3A_40 = arith.addi %add3A_37, %add3A_39 : vector<16xi32>
        %gather3A = tpu.vector_load_idx %arg7[%add3A_40, %and3A_33] : memref<2048x16xf32, #tpu.memory_space<vmem>>[vector<16xi32>, vector<16xi32>], vector<16xf32>,
        %add3A_41 = arith.constant 128 : i32
        %add3A_42 = vector.broadcast %add3A_41 : i32 to vector<16xi32>
        %add3A_43 = arith.addi %add3A_37, %add3A_42 : vector<16xi32>
        %gather3A_44 = tpu.vector_load_idx %arg7[%add3A_43, %and3A_33] : memref<2048x16xf32, #tpu.memory_space<vmem>>[vector<16xi32>, vector<16xi32>], vector<16xf32>,
        %add3A_45 = arith.constant 256 : i32
        %add3A_46 = vector.broadcast %add3A_45 : i32 to vector<16xi32>
        %add3A_47 = arith.addi %add3A_37, %add3A_46 : vector<16xi32>
        %gather3A_48 = tpu.vector_load_idx %arg7[%add3A_47, %and3A_33] : memref<2048x16xf32, #tpu.memory_space<vmem>>[vector<16xi32>, vector<16xi32>], vector<16xf32>,
        %add3A_49 = arith.constant 384 : i32
        %add3A_50 = vector.broadcast %add3A_49 : i32 to vector<16xi32>
        %add3A_51 = arith.addi %add3A_37, %add3A_50 : vector<16xi32>
        %gather3A_52 = tpu.vector_load_idx %arg7[%add3A_51, %and3A_33] : memref<2048x16xf32, #tpu.memory_space<vmem>>[vector<16xi32>, vector<16xi32>], vector<16xf32>,
        %add3A_53 = arith.constant 512 : i32
        %add3A_54 = vector.broadcast %add3A_53 : i32 to vector<16xi32>
        %add3A_55 = arith.addi %add3A_37, %add3A_54 : vector<16xi32>
        %gather3A_56 = tpu.vector_load_idx %arg7[%add3A_55, %and3A_33] : memref<2048x16xf32, #tpu.memory_space<vmem>>[vector<16xi32>, vector<16xi32>], vector<16xf32>,
        %add3A_57 = arith.constant 640 : i32
        %add3A_58 = vector.broadcast %add3A_57 : i32 to vector<16xi32>
        %add3A_59 = arith.addi %add3A_37, %add3A_58 : vector<16xi32>
        %gather3A_60 = tpu.vector_load_idx %arg7[%add3A_59, %and3A_33] : memref<2048x16xf32, #tpu.memory_space<vmem>>[vector<16xi32>, vector<16xi32>], vector<16xf32>,
        %add3A_61 = arith.constant 768 : i32
        %add3A_62 = vector.broadcast %add3A_61 : i32 to vector<16xi32>
        %add3A_63 = arith.addi %add3A_37, %add3A_62 : vector<16xi32>
        %gather3A_64 = tpu.vector_load_idx %arg7[%add3A_63, %and3A_33] : memref<2048x16xf32, #tpu.memory_space<vmem>>[vector<16xi32>, vector<16xi32>], vector<16xf32>,
        %add3A_65 = arith.constant 896 : i32
        %add3A_66 = vector.broadcast %add3A_65 : i32 to vector<16xi32>
        %add3A_67 = arith.addi %add3A_37, %add3A_66 : vector<16xi32>
        %gather3A_68 = tpu.vector_load_idx %arg7[%add3A_67, %and3A_33] : memref<2048x16xf32, #tpu.memory_space<vmem>>[vector<16xi32>, vector<16xi32>], vector<16xf32>,
        %add3A_69 = arith.constant 1024 : i32
        %add3A_70 = vector.broadcast %add3A_69 : i32 to vector<16xi32>
        %add3A_71 = arith.addi %add3A_37, %add3A_70 : vector<16xi32>
        %gather3A_72 = tpu.vector_load_idx %arg7[%add3A_71, %and3A_33] : memref<2048x16xf32, #tpu.memory_space<vmem>>[vector<16xi32>, vector<16xi32>], vector<16xf32>,
        %add3A_73 = arith.constant 1152 : i32
        %add3A_74 = vector.broadcast %add3A_73 : i32 to vector<16xi32>
        %add3A_75 = arith.addi %add3A_37, %add3A_74 : vector<16xi32>
        %gather3A_76 = tpu.vector_load_idx %arg7[%add3A_75, %and3A_33] : memref<2048x16xf32, #tpu.memory_space<vmem>>[vector<16xi32>, vector<16xi32>], vector<16xf32>,
        %add3A_77 = arith.constant 1280 : i32
        %add3A_78 = vector.broadcast %add3A_77 : i32 to vector<16xi32>
        %add3A_79 = arith.addi %add3A_37, %add3A_78 : vector<16xi32>
        %gather3A_80 = tpu.vector_load_idx %arg7[%add3A_79, %and3A_33] : memref<2048x16xf32, #tpu.memory_space<vmem>>[vector<16xi32>, vector<16xi32>], vector<16xf32>,
        %add3A_81 = arith.constant 1408 : i32
        %add3A_82 = vector.broadcast %add3A_81 : i32 to vector<16xi32>
        %add3A_83 = arith.addi %add3A_37, %add3A_82 : vector<16xi32>
        %gather3A_84 = tpu.vector_load_idx %arg7[%add3A_83, %and3A_33] : memref<2048x16xf32, #tpu.memory_space<vmem>>[vector<16xi32>, vector<16xi32>], vector<16xf32>,
        %add3A_85 = arith.constant 1536 : i32
        %add3A_86 = vector.broadcast %add3A_85 : i32 to vector<16xi32>
        %add3A_87 = arith.addi %add3A_37, %add3A_86 : vector<16xi32>
        %gather3A_88 = tpu.vector_load_idx %arg7[%add3A_87, %and3A_33] : memref<2048x16xf32, #tpu.memory_space<vmem>>[vector<16xi32>, vector<16xi32>], vector<16xf32>,
        %add3A_89 = arith.constant 1664 : i32
        %add3A_90 = vector.broadcast %add3A_89 : i32 to vector<16xi32>
        %add3A_91 = arith.addi %add3A_37, %add3A_90 : vector<16xi32>
        %gather3A_92 = tpu.vector_load_idx %arg7[%add3A_91, %and3A_33] : memref<2048x16xf32, #tpu.memory_space<vmem>>[vector<16xi32>, vector<16xi32>], vector<16xf32>,
        %add3A_93 = arith.constant 1792 : i32
        %add3A_94 = vector.broadcast %add3A_93 : i32 to vector<16xi32>
        %add3A_95 = arith.addi %add3A_37, %add3A_94 : vector<16xi32>
        %gather3A_96 = tpu.vector_load_idx %arg7[%add3A_95, %and3A_33] : memref<2048x16xf32, #tpu.memory_space<vmem>>[vector<16xi32>, vector<16xi32>], vector<16xf32>,
        %add3A_97 = arith.constant 1920 : i32
        %add3A_98 = vector.broadcast %add3A_97 : i32 to vector<16xi32>
        %add3A_99 = arith.addi %add3A_37, %add3A_98 : vector<16xi32>
        %gather3A_100 = tpu.vector_load_idx %arg7[%add3A_99, %and3A_33] : memref<2048x16xf32, #tpu.memory_space<vmem>>[vector<16xi32>, vector<16xi32>], vector<16xf32>,
        %max3A = arith.maximumf %gather3A, %gather3A_44 : vector<16xf32>
        %max3A_101 = arith.maximumf %max3A, %gather3A_48 : vector<16xf32>
        %max3A_102 = arith.maximumf %max3A_101, %gather3A_52 : vector<16xf32>
        %max3A_103 = arith.maximumf %max3A_102, %gather3A_56 : vector<16xf32>
        %max3A_104 = arith.maximumf %max3A_103, %gather3A_60 : vector<16xf32>
        %max3A_105 = arith.maximumf %max3A_104, %gather3A_64 : vector<16xf32>
        %max3A_106 = arith.maximumf %max3A_105, %gather3A_68 : vector<16xf32>
        %max3A_107 = arith.maximumf %max3A_106, %gather3A_72 : vector<16xf32>
        %max3A_108 = arith.maximumf %max3A_107, %gather3A_76 : vector<16xf32>
        %max3A_109 = arith.maximumf %max3A_108, %gather3A_80 : vector<16xf32>
        %max3A_110 = arith.maximumf %max3A_109, %gather3A_84 : vector<16xf32>
        %max3A_111 = arith.maximumf %max3A_110, %gather3A_88 : vector<16xf32>
        %max3A_112 = arith.maximumf %max3A_111, %gather3A_92 : vector<16xf32>
        %max3A_113 = arith.maximumf %max3A_112, %gather3A_96 : vector<16xf32>
        %max3A_114 = arith.maximumf %max3A_113, %gather3A_100 : vector<16xf32>
        %sub3A = arith.subf %gather3A, %max3A_114 : vector<16xf32>
        %exp3A = math.exp %sub3A : vector<16xf32>
        %sub3A_115 = arith.subf %gather3A_44, %max3A_114 : vector<16xf32>
        %exp3A_116 = math.exp %sub3A_115 : vector<16xf32>
        %sub3A_117 = arith.subf %gather3A_48, %max3A_114 : vector<16xf32>
        %exp3A_118 = math.exp %sub3A_117 : vector<16xf32>
        %sub3A_119 = arith.subf %gather3A_52, %max3A_114 : vector<16xf32>
        %exp3A_120 = math.exp %sub3A_119 : vector<16xf32>
        %sub3A_121 = arith.subf %gather3A_56, %max3A_114 : vector<16xf32>
        %exp3A_122 = math.exp %sub3A_121 : vector<16xf32>
        %sub3A_123 = arith.subf %gather3A_60, %max3A_114 : vector<16xf32>
        %exp3A_124 = math.exp %sub3A_123 : vector<16xf32>
        %sub3A_125 = arith.subf %gather3A_64, %max3A_114 : vector<16xf32>
        %exp3A_126 = math.exp %sub3A_125 : vector<16xf32>
        %sub3A_127 = arith.subf %gather3A_68, %max3A_114 : vector<16xf32>
        %exp3A_128 = math.exp %sub3A_127 : vector<16xf32>
        %sub3A_129 = arith.subf %gather3A_72, %max3A_114 : vector<16xf32>
        %exp3A_130 = math.exp %sub3A_129 : vector<16xf32>
        %sub3A_131 = arith.subf %gather3A_76, %max3A_114 : vector<16xf32>
        %exp3A_132 = math.exp %sub3A_131 : vector<16xf32>
        %sub3A_133 = arith.subf %gather3A_80, %max3A_114 : vector<16xf32>
        %exp3A_134 = math.exp %sub3A_133 : vector<16xf32>
        %sub3A_135 = arith.subf %gather3A_84, %max3A_114 : vector<16xf32>
        %exp3A_136 = math.exp %sub3A_135 : vector<16xf32>
        %sub3A_137 = arith.subf %gather3A_88, %max3A_114 : vector<16xf32>
        %exp3A_138 = math.exp %sub3A_137 : vector<16xf32>
        %sub3A_139 = arith.subf %gather3A_92, %max3A_114 : vector<16xf32>
        %exp3A_140 = math.exp %sub3A_139 : vector<16xf32>
        %sub3A_141 = arith.subf %gather3A_96, %max3A_114 : vector<16xf32>
        %exp3A_142 = math.exp %sub3A_141 : vector<16xf32>
        %sub3A_143 = arith.subf %gather3A_100, %max3A_114 : vector<16xf32>
        %exp3A_144 = math.exp %sub3A_143 : vector<16xf32>
        %add3A_145 = arith.addf %exp3A, %exp3A_116 : vector<16xf32>
        %add3A_146 = arith.addf %add3A_145, %exp3A_118 : vector<16xf32>
        %add3A_147 = arith.addf %add3A_146, %exp3A_120 : vector<16xf32>
        %add3A_148 = arith.addf %add3A_147, %exp3A_122 : vector<16xf32>
        %add3A_149 = arith.addf %add3A_148, %exp3A_124 : vector<16xf32>
        %add3A_150 = arith.addf %add3A_149, %exp3A_126 : vector<16xf32>
        %add3A_151 = arith.addf %add3A_150, %exp3A_128 : vector<16xf32>
        %add3A_152 = arith.addf %add3A_151, %exp3A_130 : vector<16xf32>
        %add3A_153 = arith.addf %add3A_152, %exp3A_132 : vector<16xf32>
        %add3A_154 = arith.addf %add3A_153, %exp3A_134 : vector<16xf32>
        %add3A_155 = arith.addf %add3A_154, %exp3A_136 : vector<16xf32>
        %add3A_156 = arith.addf %add3A_155, %exp3A_138 : vector<16xf32>
        %add3A_157 = arith.addf %add3A_156, %exp3A_140 : vector<16xf32>
        %add3A_158 = arith.addf %add3A_157, %exp3A_142 : vector<16xf32>
        %add3A_159 = arith.addf %add3A_158, %exp3A_144 : vector<16xf32>
        %div3A = arith.constant 1.000000e+00 : f32
        %div3A_160 = vector.broadcast %div3A : f32 to vector<16xf32>
        %div3A_161 = arith.divf %div3A_160, %add3A_159 : vector<16xf32>
        %mul3A_162 = arith.constant 128 : i32
        %mul3A_163 = arith.muli %scan3A_8, %mul3A_162 : i32
        %mul3A_164 = arith.constant 16 : i32
        %mul3A_165 = arith.muli %scan3A_25, %mul3A_164 : i32
        %add3A_166 = arith.addi %mul3A_163, %mul3A_165 : i32
        %add3A_167 = vector.broadcast %add3A_166 : i32 to vector<16xi32>
        %add3A_168 = arith.addi %add3A_167, %iota3A : vector<16xi32>
        %broadcast_in_dim3A = arith.constant 0 : i32
        %broadcast_in_dim3A_169 = vector.broadcast %broadcast_in_dim3A : i32 to vector<16xi32>
        %mul3A_170 = arith.mulf %exp3A, %div3A_161 : vector<16xf32>
        tpu.vector_store_idx %arg8[%broadcast_in_dim3A_169, %add3A_168], %mul3A_170 : memref<16x512xf32, #tpu.memory_space<vmem>>[vector<16xi32>, vector<16xi32>], vector<16xf32>,
        %broadcast_in_dim3A_171 = arith.constant 1 : i32
        %broadcast_in_dim3A_172 = vector.broadcast %broadcast_in_dim3A_171 : i32 to vector<16xi32>
        %mul3A_173 = arith.mulf %exp3A_116, %div3A_161 : vector<16xf32>
        tpu.vector_store_idx %arg8[%broadcast_in_dim3A_172, %add3A_168], %mul3A_173 : memref<16x512xf32, #tpu.memory_space<vmem>>[vector<16xi32>, vector<16xi32>], vector<16xf32>,
        %broadcast_in_dim3A_174 = arith.constant 2 : i32
        %broadcast_in_dim3A_175 = vector.broadcast %broadcast_in_dim3A_174 : i32 to vector<16xi32>
        %mul3A_176 = arith.mulf %exp3A_118, %div3A_161 : vector<16xf32>
        tpu.vector_store_idx %arg8[%broadcast_in_dim3A_175, %add3A_168], %mul3A_176 : memref<16x512xf32, #tpu.memory_space<vmem>>[vector<16xi32>, vector<16xi32>], vector<16xf32>,
        %broadcast_in_dim3A_177 = arith.constant 3 : i32
        %broadcast_in_dim3A_178 = vector.broadcast %broadcast_in_dim3A_177 : i32 to vector<16xi32>
        %mul3A_179 = arith.mulf %exp3A_120, %div3A_161 : vector<16xf32>
        tpu.vector_store_idx %arg8[%broadcast_in_dim3A_178, %add3A_168], %mul3A_179 : memref<16x512xf32, #tpu.memory_space<vmem>>[vector<16xi32>, vector<16xi32>], vector<16xf32>,
        %broadcast_in_dim3A_180 = arith.constant 4 : i32
        %broadcast_in_dim3A_181 = vector.broadcast %broadcast_in_dim3A_180 : i32 to vector<16xi32>
        %mul3A_182 = arith.mulf %exp3A_122, %div3A_161 : vector<16xf32>
        tpu.vector_store_idx %arg8[%broadcast_in_dim3A_181, %add3A_168], %mul3A_182 : memref<16x512xf32, #tpu.memory_space<vmem>>[vector<16xi32>, vector<16xi32>], vector<16xf32>,
        %broadcast_in_dim3A_183 = arith.constant 5 : i32
        %broadcast_in_dim3A_184 = vector.broadcast %broadcast_in_dim3A_183 : i32 to vector<16xi32>
        %mul3A_185 = arith.mulf %exp3A_124, %div3A_161 : vector<16xf32>
        tpu.vector_store_idx %arg8[%broadcast_in_dim3A_184, %add3A_168], %mul3A_185 : memref<16x512xf32, #tpu.memory_space<vmem>>[vector<16xi32>, vector<16xi32>], vector<16xf32>,
        %broadcast_in_dim3A_186 = arith.constant 6 : i32
        %broadcast_in_dim3A_187 = vector.broadcast %broadcast_in_dim3A_186 : i32 to vector<16xi32>
        %mul3A_188 = arith.mulf %exp3A_126, %div3A_161 : vector<16xf32>
        tpu.vector_store_idx %arg8[%broadcast_in_dim3A_187, %add3A_168], %mul3A_188 : memref<16x512xf32, #tpu.memory_space<vmem>>[vector<16xi32>, vector<16xi32>], vector<16xf32>,
        %broadcast_in_dim3A_189 = arith.constant 7 : i32
        %broadcast_in_dim3A_190 = vector.broadcast %broadcast_in_dim3A_189 : i32 to vector<16xi32>
        %mul3A_191 = arith.mulf %exp3A_128, %div3A_161 : vector<16xf32>
        tpu.vector_store_idx %arg8[%broadcast_in_dim3A_190, %add3A_168], %mul3A_191 : memref<16x512xf32, #tpu.memory_space<vmem>>[vector<16xi32>, vector<16xi32>], vector<16xf32>,
        %broadcast_in_dim3A_192 = arith.constant 8 : i32
        %broadcast_in_dim3A_193 = vector.broadcast %broadcast_in_dim3A_192 : i32 to vector<16xi32>
        %mul3A_194 = arith.mulf %exp3A_130, %div3A_161 : vector<16xf32>
        tpu.vector_store_idx %arg8[%broadcast_in_dim3A_193, %add3A_168], %mul3A_194 : memref<16x512xf32, #tpu.memory_space<vmem>>[vector<16xi32>, vector<16xi32>], vector<16xf32>,
        %broadcast_in_dim3A_195 = arith.constant 9 : i32
        %broadcast_in_dim3A_196 = vector.broadcast %broadcast_in_dim3A_195 : i32 to vector<16xi32>
        %mul3A_197 = arith.mulf %exp3A_132, %div3A_161 : vector<16xf32>
        tpu.vector_store_idx %arg8[%broadcast_in_dim3A_196, %add3A_168], %mul3A_197 : memref<16x512xf32, #tpu.memory_space<vmem>>[vector<16xi32>, vector<16xi32>], vector<16xf32>,
        %broadcast_in_dim3A_198 = arith.constant 10 : i32
        %broadcast_in_dim3A_199 = vector.broadcast %broadcast_in_dim3A_198 : i32 to vector<16xi32>
        %mul3A_200 = arith.mulf %exp3A_134, %div3A_161 : vector<16xf32>
        tpu.vector_store_idx %arg8[%broadcast_in_dim3A_199, %add3A_168], %mul3A_200 : memref<16x512xf32, #tpu.memory_space<vmem>>[vector<16xi32>, vector<16xi32>], vector<16xf32>,
        %broadcast_in_dim3A_201 = arith.constant 11 : i32
        %broadcast_in_dim3A_202 = vector.broadcast %broadcast_in_dim3A_201 : i32 to vector<16xi32>
        %mul3A_203 = arith.mulf %exp3A_136, %div3A_161 : vector<16xf32>
        tpu.vector_store_idx %arg8[%broadcast_in_dim3A_202, %add3A_168], %mul3A_203 : memref<16x512xf32, #tpu.memory_space<vmem>>[vector<16xi32>, vector<16xi32>], vector<16xf32>,
        %broadcast_in_dim3A_204 = arith.constant 12 : i32
        %broadcast_in_dim3A_205 = vector.broadcast %broadcast_in_dim3A_204 : i32 to vector<16xi32>
        %mul3A_206 = arith.mulf %exp3A_138, %div3A_161 : vector<16xf32>
        tpu.vector_store_idx %arg8[%broadcast_in_dim3A_205, %add3A_168], %mul3A_206 : memref<16x512xf32, #tpu.memory_space<vmem>>[vector<16xi32>, vector<16xi32>], vector<16xf32>,
        %broadcast_in_dim3A_207 = arith.constant 13 : i32
        %broadcast_in_dim3A_208 = vector.broadcast %broadcast_in_dim3A_207 : i32 to vector<16xi32>
        %mul3A_209 = arith.mulf %exp3A_140, %div3A_161 : vector<16xf32>
        tpu.vector_store_idx %arg8[%broadcast_in_dim3A_208, %add3A_168], %mul3A_209 : memref<16x512xf32, #tpu.memory_space<vmem>>[vector<16xi32>, vector<16xi32>], vector<16xf32>,
        %broadcast_in_dim3A_210 = arith.constant 14 : i32
        %broadcast_in_dim3A_211 = vector.broadcast %broadcast_in_dim3A_210 : i32 to vector<16xi32>
        %mul3A_212 = arith.mulf %exp3A_142, %div3A_161 : vector<16xf32>
        tpu.vector_store_idx %arg8[%broadcast_in_dim3A_211, %add3A_168], %mul3A_212 : memref<16x512xf32, #tpu.memory_space<vmem>>[vector<16xi32>, vector<16xi32>], vector<16xf32>,
        %broadcast_in_dim3A_213 = arith.constant 15 : i32
        %broadcast_in_dim3A_214 = vector.broadcast %broadcast_in_dim3A_213 : i32 to vector<16xi32>
        %mul3A_215 = arith.mulf %exp3A_144, %div3A_161 : vector<16xf32>
        tpu.vector_store_idx %arg8[%broadcast_in_dim3A_214, %add3A_168], %mul3A_215 : memref<16x512xf32, #tpu.memory_space<vmem>>[vector<16xi32>, vector<16xi32>], vector<16xf32>,
      }
      %scan3A_24 = arith.constant 8 : i32
    }
    %scan3A_7 = arith.constant 4 : i32
    "tpu.region"() ({
      %run_scoped3A = tpu.sem_alloc : memref<!tpu.dma_semaphore, #tpu.memory_space<semaphore_mem>>
      %dma_start3A = arith.constant 0 : i32
      %dma_start3A_8 = arith.constant 0 : i32
      %dma_start3A_9 = tpu.memref_slice %arg8[%dma_start3A, %dma_start3A_8] : memref<16x512xf32, #tpu.memory_space<vmem>> -> memref<8x512xf32, #tpu.memory_space<vmem>>
      %dma_start3A_10 = arith.constant 0 : i32
      %dma_start3A_11 = tpu.memref_slice %arg4[%dma_start3A_10, %mul3A_2] : memref<16x16384xf32, #tpu.memory_space<hbm>> -> memref<8x512xf32, #tpu.memory_space<hbm>>
      %dma_start3A_12 = arith.constant 0 : i32
      %dma_start3A_13 = tpu.memref_slice %arg4[%dma_start3A_12, %mul3A_2] : memref<16x16384xf32, #tpu.memory_space<hbm>> -> memref<8x512xf32, #tpu.memory_space<hbm>>
      %dma_start3A_14 = arith.constant 0 : i32
      %dma_start3A_15 = arith.constant 0 : i32
      %dma_start3A_16 = tpu.memref_slice %arg8[%dma_start3A_14, %dma_start3A_15] : memref<16x512xf32, #tpu.memory_space<vmem>> -> memref<8x512xf32, #tpu.memory_space<vmem>>
      tpu.enqueue_dma source(%dma_start3A_16 : memref<8x512xf32, #tpu.memory_space<vmem>>) target(%dma_start3A_13 : memref<8x512xf32, #tpu.memory_space<hbm>>) target_semaphore(%run_scoped3A : memref<!tpu.dma_semaphore, #tpu.memory_space<semaphore_mem>>)
      %dma_wait3A = arith.constant 0 : i32
      %dma_wait3A_17 = arith.constant 0 : i32
      %dma_wait3A_18 = tpu.memref_slice %arg8[%dma_wait3A, %dma_wait3A_17] : memref<16x512xf32, #tpu.memory_space<vmem>> -> memref<8x512xf32, #tpu.memory_space<vmem>>
      %dma_wait3A_19 = arith.constant 0 : i32
      %dma_wait3A_20 = tpu.memref_slice %arg4[%dma_wait3A_19, %mul3A_2] : memref<16x16384xf32, #tpu.memory_space<hbm>> -> memref<8x512xf32, #tpu.memory_space<hbm>>
      %dma_wait3A_21 = arith.constant 0 : i32
      %dma_wait3A_22 = tpu.memref_slice %arg4[%dma_wait3A_21, %mul3A_2] : memref<16x16384xf32, #tpu.memory_space<hbm>> -> memref<8x512xf32, #tpu.memory_space<hbm>>
      %dma_wait3A_23 = arith.constant 0 : i32
      %dma_wait3A_24 = arith.constant 0 : i32
      %dma_wait3A_25 = tpu.memref_slice %arg8[%dma_wait3A_23, %dma_wait3A_24] : memref<16x512xf32, #tpu.memory_space<vmem>> -> memref<8x512xf32, #tpu.memory_space<vmem>>
      tpu.wait_dma2 semaphore(%run_scoped3A : memref<!tpu.dma_semaphore, #tpu.memory_space<semaphore_mem>>) src(%dma_wait3A_25 : memref<8x512xf32, #tpu.memory_space<vmem>>) dst(%dma_wait3A_22 : memref<8x512xf32, #tpu.memory_space<hbm>>)
      tpu.yield
    }) : () -> ()
    "tpu.region"() ({
      %run_scoped3A = tpu.sem_alloc : memref<!tpu.dma_semaphore, #tpu.memory_space<semaphore_mem>>
      %dma_start3A = arith.constant 8 : i32
      %dma_start3A_8 = arith.constant 0 : i32
      %dma_start3A_9 = tpu.memref_slice %arg8[%dma_start3A, %dma_start3A_8] : memref<16x512xf32, #tpu.memory_space<vmem>> -> memref<8x512xf32, #tpu.memory_space<vmem>>
      %dma_start3A_10 = arith.constant 8 : i32
      %dma_start3A_11 = tpu.memref_slice %arg4[%dma_start3A_10, %mul3A_2] : memref<16x16384xf32, #tpu.memory_space<hbm>> -> memref<8x512xf32, #tpu.memory_space<hbm>>
      %dma_start3A_12 = arith.constant 8 : i32
      %dma_start3A_13 = tpu.memref_slice %arg4[%dma_start3A_12, %mul3A_2] : memref<16x16384xf32, #tpu.memory_space<hbm>> -> memref<8x512xf32, #tpu.memory_space<hbm>>
      %dma_start3A_14 = arith.constant 8 : i32
      %dma_start3A_15 = arith.constant 0 : i32
      %dma_start3A_16 = tpu.memref_slice %arg8[%dma_start3A_14, %dma_start3A_15] : memref<16x512xf32, #tpu.memory_space<vmem>> -> memref<8x512xf32, #tpu.memory_space<vmem>>
      tpu.enqueue_dma source(%dma_start3A_16 : memref<8x512xf32, #tpu.memory_space<vmem>>) target(%dma_start3A_13 : memref<8x512xf32, #tpu.memory_space<hbm>>) target_semaphore(%run_scoped3A : memref<!tpu.dma_semaphore, #tpu.memory_space<semaphore_mem>>)
      %dma_wait3A = arith.constant 8 : i32
      %dma_wait3A_17 = arith.constant 0 : i32
      %dma_wait3A_18 = tpu.memref_slice %arg8[%dma_wait3A, %dma_wait3A_17] : memref<16x512xf32, #tpu.memory_space<vmem>> -> memref<8x512xf32, #tpu.memory_space<vmem>>
      %dma_wait3A_19 = arith.constant 8 : i32
      %dma_wait3A_20 = tpu.memref_slice %arg4[%dma_wait3A_19, %mul3A_2] : memref<16x16384xf32, #tpu.memory_space<hbm>> -> memref<8x512xf32, #tpu.memory_space<hbm>>
      %dma_wait3A_21 = arith.constant 8 : i32
      %dma_wait3A_22 = tpu.memref_slice %arg4[%dma_wait3A_21, %mul3A_2] : memref<16x16384xf32, #tpu.memory_space<hbm>> -> memref<8x512xf32, #tpu.memory_space<hbm>>
      %dma_wait3A_23 = arith.constant 8 : i32
      %dma_wait3A_24 = arith.constant 0 : i32
      %dma_wait3A_25 = tpu.memref_slice %arg8[%dma_wait3A_23, %dma_wait3A_24] : memref<16x512xf32, #tpu.memory_space<vmem>> -> memref<8x512xf32, #tpu.memory_space<vmem>>
      tpu.wait_dma2 semaphore(%run_scoped3A : memref<!tpu.dma_semaphore, #tpu.memory_space<semaphore_mem>>) src(%dma_wait3A_25 : memref<8x512xf32, #tpu.memory_space<vmem>>) dst(%dma_wait3A_22 : memref<8x512xf32, #tpu.memory_space<hbm>>)
      tpu.yield
    }) : () -> ()
    return
  }
}

#map = affine_map<(d0, d1) -> (0, 0)>
#map1 = affine_map<(d0, d1) -> (0, 0, 0)>
module attributes {stable_mosaic.version = 14 : i64} {
  func.func @_relayout(%arg0: i32, %arg1: i32, %arg2: memref<16x1000000xf32, #tpu.memory_space<hbm>>, %arg3: memref<2x8x1000064xf32, #tpu.memory_space<hbm>>, %arg4: memref<2x8x2048xf32, #tpu.memory_space<vmem>>, %arg5: memref<2x!tpu.dma_semaphore, #tpu.memory_space<semaphore_mem>>, %arg6: memref<!tpu.dma_semaphore, #tpu.memory_space<semaphore_mem>>) attributes {dimension_semantics = [#tpu.dimension_semantics<core_parallel>, #tpu.dimension_semantics<subcore_parallel>], iteration_bounds = array<i64: 2, 16>, scalar_prefetch = 0 : i64, scratch_operands = 3 : i64, tpu.core_type = #tpu.core_type<sc_vector_subcore>, window_params = [{transform_indices = #map}, {transform_indices = #map1}]} {
    %mul3A = arith.constant 2 : i32
    %mul3A_0 = arith.muli %arg1, %mul3A : i32
    %add3A = arith.addi %mul3A_0, %arg0 : i32
    %jit3A = arith.constant 16 : i32
    %div3A = arith.divsi %add3A, %jit3A : i32
    %sign3A = arith.constant 0 : i32
    %sign3A_1 = arith.cmpi sgt, %add3A, %sign3A : i32
    %sign3A_2 = arith.extui %sign3A_1 : i1 to i32
    %sign3A_3 = arith.constant 0 : i32
    %sign3A_4 = arith.cmpi slt, %add3A, %sign3A_3 : i32
    %sign3A_5 = arith.extui %sign3A_4 : i1 to i32
    %sign3A_6 = arith.subi %sign3A_2, %sign3A_5 : i32
    %sign3A_7 = arith.constant 0 : i32
    %sign3A_8 = arith.cmpi sgt, %jit3A, %sign3A_7 : i32
    %sign3A_9 = arith.extui %sign3A_8 : i1 to i32
    %sign3A_10 = arith.constant 0 : i32
    %sign3A_11 = arith.cmpi slt, %jit3A, %sign3A_10 : i32
    %sign3A_12 = arith.extui %sign3A_11 : i1 to i32
    %sign3A_13 = arith.subi %sign3A_9, %sign3A_12 : i32
    %ne3A = arith.cmpi ne, %sign3A_6, %sign3A_13 : i32
    %rem3A = arith.remsi %add3A, %jit3A : i32
    %ne3A_14 = arith.constant 0 : i32
    %ne3A_15 = arith.cmpi ne, %rem3A, %ne3A_14 : i32
    %and3A = arith.andi %ne3A, %ne3A_15 : i1
    %sub3A = arith.constant 1 : i32
    %sub3A_16 = arith.subi %div3A, %sub3A : i32
    %select_n3A = arith.select %and3A, %sub3A_16, %div3A : i32
    %jit3A_17 = arith.constant 16 : i32
    %eq3A = arith.constant 0 : i32
    %eq3A_18 = arith.cmpi eq, %jit3A_17, %eq3A : i32
    %jit3A_19 = arith.constant 1 : i32
    %select_n3A_20 = arith.select %eq3A_18, %jit3A_19, %jit3A_17 : i32
    %rem3A_21 = arith.remsi %add3A, %select_n3A_20 : i32
    %ne3A_22 = arith.constant 0 : i32
    %ne3A_23 = arith.cmpi ne, %rem3A_21, %ne3A_22 : i32
    %lt3A = arith.constant 0 : i32
    %lt3A_24 = arith.cmpi slt, %rem3A_21, %lt3A : i32
    %lt3A_25 = arith.constant 0 : i32
    %lt3A_26 = arith.cmpi slt, %select_n3A_20, %lt3A_25 : i32
    %ne3A_27 = arith.xori %lt3A_24, %lt3A_26 : i1
    %and3A_28 = arith.andi %ne3A_27, %ne3A_23 : i1
    %add3A_29 = arith.addi %rem3A_21, %select_n3A_20 : i32
    %select_n3A_30 = arith.select %and3A_28, %add3A_29, %rem3A_21 : i32
    %mul3A_31 = arith.constant 489 : i32
    %mul3A_32 = arith.muli %select_n3A_30, %mul3A_31 : i32
    %add3A_33 = arith.constant 0 : i32
    %add3A_34 = arith.addi %mul3A_32, %add3A_33 : i32
    %min3A = arith.constant 7797 : i32
    %min3A_35 = arith.minsi %add3A_34, %min3A : i32
    %mul3A_36 = arith.constant 8 : i32
    %mul3A_37 = arith.muli %select_n3A, %mul3A_36 : i32
    %multiple_of3A = tpu.assume_multiple %mul3A_37, 8 : i32
    %mul3A_38 = arith.constant 128 : i32
    %mul3A_39 = arith.muli %min3A_35, %mul3A_38 : i32
    %multiple_of3A_40 = tpu.assume_multiple %mul3A_39, 128 : i32
    %mul3A_41 = arith.constant 128 : i32
    %mul3A_42 = arith.muli %min3A_35, %mul3A_41 : i32
    %multiple_of3A_43 = tpu.assume_multiple %mul3A_42, 128 : i32
    %dma_start3A = arith.constant 0 : i32
    %dma_start3A_44 = arith.constant 0 : i32
    %dma_start3A_45 = arith.constant 0 : i32
    %dma_start3A_46 = arith.constant 0 : i32
    %dma_start3A_47 = tpu.memref_slice %arg4[%dma_start3A, %dma_start3A_45, %dma_start3A_46] : memref<2x8x2048xf32, #tpu.memory_space<vmem>> -> memref<1x8x2048xf32, #tpu.memory_space<vmem>>
    %dma_start3A_48 = tpu.memref_squeeze %dma_start3A_47 : memref<1x8x2048xf32, #tpu.memory_space<vmem>> -> memref<8x2048xf32, #tpu.memory_space<vmem>>
    %dma_start3A_49 = tpu.memref_slice %arg2[%multiple_of3A, %multiple_of3A_40] : memref<16x1000000xf32, #tpu.memory_space<hbm>> -> memref<8x2048xf32, #tpu.memory_space<hbm>>
    %dma_start3A_50 = tpu.memref_slice %arg5[%dma_start3A_44] : memref<2x!tpu.dma_semaphore, #tpu.memory_space<semaphore_mem>> -> memref<1x!tpu.dma_semaphore, #tpu.memory_space<semaphore_mem>>
    %dma_start3A_51 = tpu.memref_squeeze %dma_start3A_50 : memref<1x!tpu.dma_semaphore, #tpu.memory_space<semaphore_mem>> -> memref<!tpu.dma_semaphore, #tpu.memory_space<semaphore_mem>>
    %dma_start3A_52 = arith.constant 0 : i32
    %dma_start3A_53 = arith.constant 0 : i32
    %dma_start3A_54 = tpu.memref_slice %arg4[%dma_start3A, %dma_start3A_52, %dma_start3A_53] : memref<2x8x2048xf32, #tpu.memory_space<vmem>> -> memref<1x8x2048xf32, #tpu.memory_space<vmem>>
    %dma_start3A_55 = tpu.memref_squeeze %dma_start3A_54 : memref<1x8x2048xf32, #tpu.memory_space<vmem>> -> memref<8x2048xf32, #tpu.memory_space<vmem>>
    %dma_start3A_56 = tpu.memref_slice %arg2[%multiple_of3A, %multiple_of3A_40] : memref<16x1000000xf32, #tpu.memory_space<hbm>> -> memref<8x2048xf32, #tpu.memory_space<hbm>>
    tpu.enqueue_dma source(%dma_start3A_56 : memref<8x2048xf32, #tpu.memory_space<hbm>>) target(%dma_start3A_55 : memref<8x2048xf32, #tpu.memory_space<vmem>>) target_semaphore(%dma_start3A_51 : memref<!tpu.dma_semaphore, #tpu.memory_space<semaphore_mem>>)
    %scan3A = arith.constant 0 : i32
    %scan3A_57 = arith.constant 0 : i32
    %scan3A_58 = arith.constant 31 : i32
    %scan3A_59 = arith.addi %scan3A_57, %scan3A_58 : i32
    %scan3A_60 = arith.constant 1 : i32
    scf.for %scan3A_62 = %scan3A_57 to %scan3A_59 step %scan3A_60  : i32 {
      %add3A_63 = arith.constant 1 : i32
      %add3A_64 = arith.addi %scan3A_62, %add3A_63 : i32
      %lt3A_65 = arith.constant 31 : i32
      %lt3A_66 = arith.cmpi slt, %add3A_64, %lt3A_65 : i32
      %convert_element_type3A = arith.extui %lt3A_66 : i1 to i32
      %cond3A = arith.constant 0 : i32
      %cond3A_67 = arith.cmpi ne, %convert_element_type3A, %cond3A : i32
      scf.if %cond3A_67 {
        %add3A_123 = arith.constant 1 : i32
        %add3A_124 = arith.addi %scan3A_62, %add3A_123 : i32
        %add3A_125 = arith.constant 1 : i32
        %add3A_126 = arith.addi %scan3A_62, %add3A_125 : i32
        %and3A_127 = arith.constant 1 : i32
        %and3A_128 = arith.andi %add3A_126, %and3A_127 : i32
        %mul3A_129 = arith.constant 16 : i32
        %mul3A_130 = arith.muli %add3A_124, %mul3A_129 : i32
        %add3A_131 = arith.addi %mul3A_32, %mul3A_130 : i32
        %min3A_132 = arith.constant 7797 : i32
        %min3A_133 = arith.minsi %add3A_131, %min3A_132 : i32
        %mul3A_134 = arith.constant 8 : i32
        %mul3A_135 = arith.muli %select_n3A, %mul3A_134 : i32
        %multiple_of3A_136 = tpu.assume_multiple %mul3A_135, 8 : i32
        %mul3A_137 = arith.constant 128 : i32
        %mul3A_138 = arith.muli %min3A_133, %mul3A_137 : i32
        %multiple_of3A_139 = tpu.assume_multiple %mul3A_138, 128 : i32
        %mul3A_140 = arith.constant 128 : i32
        %mul3A_141 = arith.muli %min3A_133, %mul3A_140 : i32
        %multiple_of3A_142 = tpu.assume_multiple %mul3A_141, 128 : i32
        %dma_start3A_143 = arith.constant 0 : i32
        %dma_start3A_144 = arith.constant 0 : i32
        %dma_start3A_145 = tpu.memref_slice %arg4[%and3A_128, %dma_start3A_143, %dma_start3A_144] : memref<2x8x2048xf32, #tpu.memory_space<vmem>> -> memref<1x8x2048xf32, #tpu.memory_space<vmem>>
        %dma_start3A_146 = tpu.memref_squeeze %dma_start3A_145 : memref<1x8x2048xf32, #tpu.memory_space<vmem>> -> memref<8x2048xf32, #tpu.memory_space<vmem>>
        %dma_start3A_147 = tpu.memref_slice %arg2[%multiple_of3A_136, %multiple_of3A_139] : memref<16x1000000xf32, #tpu.memory_space<hbm>> -> memref<8x2048xf32, #tpu.memory_space<hbm>>
        %dma_start3A_148 = tpu.memref_slice %arg5[%and3A_128] : memref<2x!tpu.dma_semaphore, #tpu.memory_space<semaphore_mem>> -> memref<1x!tpu.dma_semaphore, #tpu.memory_space<semaphore_mem>>
        %dma_start3A_149 = tpu.memref_squeeze %dma_start3A_148 : memref<1x!tpu.dma_semaphore, #tpu.memory_space<semaphore_mem>> -> memref<!tpu.dma_semaphore, #tpu.memory_space<semaphore_mem>>
        %dma_start3A_150 = arith.constant 0 : i32
        %dma_start3A_151 = arith.constant 0 : i32
        %dma_start3A_152 = tpu.memref_slice %arg4[%and3A_128, %dma_start3A_150, %dma_start3A_151] : memref<2x8x2048xf32, #tpu.memory_space<vmem>> -> memref<1x8x2048xf32, #tpu.memory_space<vmem>>
        %dma_start3A_153 = tpu.memref_squeeze %dma_start3A_152 : memref<1x8x2048xf32, #tpu.memory_space<vmem>> -> memref<8x2048xf32, #tpu.memory_space<vmem>>
        %dma_start3A_154 = tpu.memref_slice %arg2[%multiple_of3A_136, %multiple_of3A_139] : memref<16x1000000xf32, #tpu.memory_space<hbm>> -> memref<8x2048xf32, #tpu.memory_space<hbm>>
        tpu.enqueue_dma source(%dma_start3A_154 : memref<8x2048xf32, #tpu.memory_space<hbm>>) target(%dma_start3A_153 : memref<8x2048xf32, #tpu.memory_space<vmem>>) target_semaphore(%dma_start3A_149 : memref<!tpu.dma_semaphore, #tpu.memory_space<semaphore_mem>>)
      } else {
      }
      %and3A_68 = arith.constant 1 : i32
      %and3A_69 = arith.andi %scan3A_62, %and3A_68 : i32
      %mul3A_70 = arith.constant 16 : i32
      %mul3A_71 = arith.muli %scan3A_62, %mul3A_70 : i32
      %add3A_72 = arith.addi %mul3A_32, %mul3A_71 : i32
      %min3A_73 = arith.constant 7797 : i32
      %min3A_74 = arith.minsi %add3A_72, %min3A_73 : i32
      %mul3A_75 = arith.constant 8 : i32
      %mul3A_76 = arith.muli %select_n3A, %mul3A_75 : i32
      %multiple_of3A_77 = tpu.assume_multiple %mul3A_76, 8 : i32
      %mul3A_78 = arith.constant 128 : i32
      %mul3A_79 = arith.muli %min3A_74, %mul3A_78 : i32
      %multiple_of3A_80 = tpu.assume_multiple %mul3A_79, 128 : i32
      %mul3A_81 = arith.constant 128 : i32
      %mul3A_82 = arith.muli %min3A_74, %mul3A_81 : i32
      %multiple_of3A_83 = tpu.assume_multiple %mul3A_82, 128 : i32
      %dma_wait3A = arith.constant 0 : i32
      %dma_wait3A_84 = arith.constant 0 : i32
      %dma_wait3A_85 = tpu.memref_slice %arg4[%and3A_69, %dma_wait3A, %dma_wait3A_84] : memref<2x8x2048xf32, #tpu.memory_space<vmem>> -> memref<1x8x2048xf32, #tpu.memory_space<vmem>>
      %dma_wait3A_86 = tpu.memref_squeeze %dma_wait3A_85 : memref<1x8x2048xf32, #tpu.memory_space<vmem>> -> memref<8x2048xf32, #tpu.memory_space<vmem>>
      %dma_wait3A_87 = tpu.memref_slice %arg2[%multiple_of3A_77, %multiple_of3A_80] : memref<16x1000000xf32, #tpu.memory_space<hbm>> -> memref<8x2048xf32, #tpu.memory_space<hbm>>
      %dma_wait3A_88 = tpu.memref_slice %arg5[%and3A_69] : memref<2x!tpu.dma_semaphore, #tpu.memory_space<semaphore_mem>> -> memref<1x!tpu.dma_semaphore, #tpu.memory_space<semaphore_mem>>
      %dma_wait3A_89 = tpu.memref_squeeze %dma_wait3A_88 : memref<1x!tpu.dma_semaphore, #tpu.memory_space<semaphore_mem>> -> memref<!tpu.dma_semaphore, #tpu.memory_space<semaphore_mem>>
      %dma_wait3A_90 = arith.constant 0 : i32
      %dma_wait3A_91 = arith.constant 0 : i32
      %dma_wait3A_92 = tpu.memref_slice %arg4[%and3A_69, %dma_wait3A_90, %dma_wait3A_91] : memref<2x8x2048xf32, #tpu.memory_space<vmem>> -> memref<1x8x2048xf32, #tpu.memory_space<vmem>>
      %dma_wait3A_93 = tpu.memref_squeeze %dma_wait3A_92 : memref<1x8x2048xf32, #tpu.memory_space<vmem>> -> memref<8x2048xf32, #tpu.memory_space<vmem>>
      %dma_wait3A_94 = tpu.memref_slice %arg2[%multiple_of3A_77, %multiple_of3A_80] : memref<16x1000000xf32, #tpu.memory_space<hbm>> -> memref<8x2048xf32, #tpu.memory_space<hbm>>
      tpu.wait_dma2 semaphore(%dma_wait3A_89 : memref<!tpu.dma_semaphore, #tpu.memory_space<semaphore_mem>>) src(%dma_wait3A_94 : memref<8x2048xf32, #tpu.memory_space<hbm>>) dst(%dma_wait3A_93 : memref<8x2048xf32, #tpu.memory_space<vmem>>)
      %dma_start3A_95 = arith.constant 0 : i32
      %dma_start3A_96 = arith.constant 0 : i32
      %dma_start3A_97 = tpu.memref_slice %arg4[%and3A_69, %dma_start3A_95, %dma_start3A_96] : memref<2x8x2048xf32, #tpu.memory_space<vmem>> -> memref<1x8x2048xf32, #tpu.memory_space<vmem>>
      %dma_start3A_98 = tpu.memref_squeeze %dma_start3A_97 : memref<1x8x2048xf32, #tpu.memory_space<vmem>> -> memref<8x2048xf32, #tpu.memory_space<vmem>>
      %dma_start3A_99 = arith.constant 0 : i32
      %dma_start3A_100 = tpu.memref_slice %arg3[%select_n3A, %dma_start3A_99, %multiple_of3A_83] : memref<2x8x1000064xf32, #tpu.memory_space<hbm>> -> memref<1x8x2048xf32, #tpu.memory_space<hbm>>
      %dma_start3A_101 = tpu.memref_squeeze %dma_start3A_100 : memref<1x8x2048xf32, #tpu.memory_space<hbm>> -> memref<8x2048xf32, #tpu.memory_space<hbm>>
      %dma_start3A_102 = arith.constant 0 : i32
      %dma_start3A_103 = tpu.memref_slice %arg3[%select_n3A, %dma_start3A_102, %multiple_of3A_83] : memref<2x8x1000064xf32, #tpu.memory_space<hbm>> -> memref<1x8x2048xf32, #tpu.memory_space<hbm>>
      %dma_start3A_104 = tpu.memref_squeeze %dma_start3A_103 : memref<1x8x2048xf32, #tpu.memory_space<hbm>> -> memref<8x2048xf32, #tpu.memory_space<hbm>>
      %dma_start3A_105 = arith.constant 0 : i32
      %dma_start3A_106 = arith.constant 0 : i32
      %dma_start3A_107 = tpu.memref_slice %arg4[%and3A_69, %dma_start3A_105, %dma_start3A_106] : memref<2x8x2048xf32, #tpu.memory_space<vmem>> -> memref<1x8x2048xf32, #tpu.memory_space<vmem>>
      %dma_start3A_108 = tpu.memref_squeeze %dma_start3A_107 : memref<1x8x2048xf32, #tpu.memory_space<vmem>> -> memref<8x2048xf32, #tpu.memory_space<vmem>>
      tpu.enqueue_dma source(%dma_start3A_108 : memref<8x2048xf32, #tpu.memory_space<vmem>>) target(%dma_start3A_104 : memref<8x2048xf32, #tpu.memory_space<hbm>>) target_semaphore(%arg6 : memref<!tpu.dma_semaphore, #tpu.memory_space<semaphore_mem>>)
      %dma_wait3A_109 = arith.constant 0 : i32
      %dma_wait3A_110 = arith.constant 0 : i32
      %dma_wait3A_111 = tpu.memref_slice %arg4[%and3A_69, %dma_wait3A_109, %dma_wait3A_110] : memref<2x8x2048xf32, #tpu.memory_space<vmem>> -> memref<1x8x2048xf32, #tpu.memory_space<vmem>>
      %dma_wait3A_112 = tpu.memref_squeeze %dma_wait3A_111 : memref<1x8x2048xf32, #tpu.memory_space<vmem>> -> memref<8x2048xf32, #tpu.memory_space<vmem>>
      %dma_wait3A_113 = arith.constant 0 : i32
      %dma_wait3A_114 = tpu.memref_slice %arg3[%select_n3A, %dma_wait3A_113, %multiple_of3A_83] : memref<2x8x1000064xf32, #tpu.memory_space<hbm>> -> memref<1x8x2048xf32, #tpu.memory_space<hbm>>
      %dma_wait3A_115 = tpu.memref_squeeze %dma_wait3A_114 : memref<1x8x2048xf32, #tpu.memory_space<hbm>> -> memref<8x2048xf32, #tpu.memory_space<hbm>>
      %dma_wait3A_116 = arith.constant 0 : i32
      %dma_wait3A_117 = tpu.memref_slice %arg3[%select_n3A, %dma_wait3A_116, %multiple_of3A_83] : memref<2x8x1000064xf32, #tpu.memory_space<hbm>> -> memref<1x8x2048xf32, #tpu.memory_space<hbm>>
      %dma_wait3A_118 = tpu.memref_squeeze %dma_wait3A_117 : memref<1x8x2048xf32, #tpu.memory_space<hbm>> -> memref<8x2048xf32, #tpu.memory_space<hbm>>
      %dma_wait3A_119 = arith.constant 0 : i32
      %dma_wait3A_120 = arith.constant 0 : i32
      %dma_wait3A_121 = tpu.memref_slice %arg4[%and3A_69, %dma_wait3A_119, %dma_wait3A_120] : memref<2x8x2048xf32, #tpu.memory_space<vmem>> -> memref<1x8x2048xf32, #tpu.memory_space<vmem>>
      %dma_wait3A_122 = tpu.memref_squeeze %dma_wait3A_121 : memref<1x8x2048xf32, #tpu.memory_space<vmem>> -> memref<8x2048xf32, #tpu.memory_space<vmem>>
      tpu.wait_dma2 semaphore(%arg6 : memref<!tpu.dma_semaphore, #tpu.memory_space<semaphore_mem>>) src(%dma_wait3A_122 : memref<8x2048xf32, #tpu.memory_space<vmem>>) dst(%dma_wait3A_118 : memref<8x2048xf32, #tpu.memory_space<hbm>>)
    }
    %scan3A_61 = arith.constant 31 : i32
    return
  }
}

</mosaic_0001>

<sc_bundles>
// kernel: kernel.4.cloned.1.call-start
scs
__scs_entry_jumppad:
0x0: {  	(pc) =	sbr.rel $0x88, $3  }
0x1: {  	(tag) =	ssettag $0x0;
	lr =	simm.s32 $0x1  }
0x2: {  	[smem:$0x3F9F] =	sst lr;
	_ =	strace $0xD0000000  }
0x3: {  	_ = 	snop  }
0x4: {  	_ = 	snop  }
0x5: {  	_ = 	snop  }
0x6: {  	_ = 	snop  }
0x7: {  	_ = 	snop  }
__scs_overlays_trampoline_lowered:
0x8: {  	[smem:$0x3FAE] =	sst s0  }
0x9: {  	[smem:$0x3FAF] =	sst s1  }
0xa: {  	[smem:$0x3FB0] =	sst s2  }
0xb: {  	[smem:$0x3FB1] =	sst s3  }
0xc: {  	[smem:$0x3FB2] =	sst s4  }
0xd: {  	[smem:$0x3FB3] =	sst s5  }
0xe: {  	[smem:$0x3FB4] =	sst s6  }
0xf: {  	[smem:$0x3FB5] =	sst s7  }
0x10: {  	[smem:$0x3FB6] =	sst s8  }
0x11: {  	[smem:$0x3FB7] =	sst s9;
	s0 =	simm.s32 @!p0 $0x0  }
0x12: {  	s1 =	sld [smem:$0x3F9D];
	s0 =	simm.s32 @p0 $0x1  }
0x13: {  	[smem:$0x3FB8] =	sst s0;
	s0 =	simm.s32 @!p1 $0x0  }
0x14: {  	s2 =	sld [smem:$0x3F9C];
	s0 =	simm.s32 @p1 $0x1  }
0x15: {  	[smem:$0x3FB9] =	sst s0;
	s0 =	simm.s32 @!p2 $0x0  }
0x16: {  	s3 =	sld [smem:$0x3FDB];
	s0 =	simm.s32 @p2 $0x1  }
0x17: {  	s4 =	simm.s32 $0x1BF5;
	[smem:$0x3FBB] =	sst s0  }
0x18: {  	s0 =	sld [smem:$0x3F9E];
	_ =	swait.ge [sflag:s4], $0x0  }
0x19: {  	s7 =	sld [smem:$0x3F9F]  }
0x1a: {  	s8 =	sadd.s32 $0xFFFFE003, lr  }
0x1b: {  	s9 =	sadd.s32 $0xFFFFFEF7, lr;
	s5 =	simm.s32 $0xFFFFFFFF;
	p2 =	slt.u32 s8, $0xFFFFF086  }
0x1c: {  	p1 =	slt.u32 s9, $0xF7A;
	s5 =	simm.s32 @!p2 $0x0  }
0x1d: {  	s5 =	simm.s32 @p1 $0x1;
	p0 =	seq.s32 s7, s2  }
0x1e: {  	s7 =	smul.u32 @!p0 $0xF7A, s2;
	p2 =	seq.s32 @!p0 s5, $0x0  }
0x1f: {  	s9 =	smul.u32 $0xF7A, s1;
	s8 =	simm.s32 @!p0 $0x1BF5;
	p2 =	por !p2, p0  }
0x20: {  	[sflag:s8] =	ssyncset.s32 @!p0 $0xFFFFF086;
	s6 =	sadd.s32 @!p0 s3, s7;
	s7 =	simm.s32 @!p0 $0x108  }
0x21: {  	s3 =	sadd.s32 s3, s9;
	s6 =	sadd.s32 @!p0 $0x88, s6;
	s7 =	simm.s32 @p2 $0x1082  }
0x22: {  	[simem:s7], [sflag:s8] =	dma.local @!p0 [hbm:s6], $0xF7A  }
0x23: {  	s9 =	sor.u32 $0xD0000000, s2;
	s6 =	simm.s32 $0x108;
	_ =	swait.ge @!p0 [sflag:s8], $0x0  }
0x24: {  	s3 =	sadd.s32 $0x88, s3;
	s6 =	simm.s32 @!p1 $0x1082;
	[sflag:s4] =	ssyncset.s32 $0xFFFFF086  }
0x25: {  	[simem:s6], [sflag:s4] =	dma.local [hbm:s3], $0xF7A  }
0x26: {  	[smem:$0x3F9F] =	sst s1;
	(tag) =	ssettag s2;
	_ =	strace s9  }
0x27: {  	s1 =	sld [smem:$0x3FAF]  }
0x28: {  	s2 =	sld [smem:$0x3FB0]  }
0x29: {  	s4 =	sld [smem:$0x3FB2]  }
0x2a: {  	p0 =	seq.s32 s5, $0x0;
	s5 =	sld [smem:$0x3FB3]  }
0x2b: {  	s6 =	sld [smem:$0x3FB4]  }
0x2c: {  	s7 =	sld [smem:$0x3FB5]  }
0x2d: {  	s3 =	simm.s32 $0x108;
	s8 =	sld [smem:$0x3FB6]  }
0x2e: {  	s3 =	simm.s32 @!p0 $0x1082;
	s9 =	sld [smem:$0x3FB7]  }
0x2f: {  	lr =	sadd.s32 s0, s3;
	s0 =	sld [smem:$0x3FAE]  }
0x30: {  	s3 =	sld [smem:$0x3FB1]  }
0x31: {  	[smem:$0x3FBA] =	sst s10  }
0x32: {  	s10 =	sld [smem:$0x3FB8];
	_ =	sdelay $0x3  }
0x33: {  	p0 =	seq.s32 s10, $0x1;
	s10 =	sld [smem:$0x3FBA];
	_ =	sdelay $0x3  }
0x34: {  	[smem:$0x3FBA] =	sst s10  }
0x35: {  	s10 =	sld [smem:$0x3FB9];
	_ =	sdelay $0x3  }
0x36: {  	p1 =	seq.s32 s10, $0x1;
	s10 =	sld [smem:$0x3FBA];
	_ =	sdelay $0x3  }
0x37: {  	[smem:$0x3FBA] =	sst s10  }
0x38: {  	s10 =	sld [smem:$0x3FBB]  }
0x39: {  	_ = 	snop;
	(pc) =	sbr.ind lr, $3  }
0x3a: {  	_ = 	snop  }
0x3b: {  	_ = 	snop  }
0x3c: {  	p2 =	seq.s32 s10, $0x1;
	s10 =	sld [smem:$0x3FBA]  }
0x3d: {  	_ =	shalt  }
0x3e: {  	_ =	shalt  }
0x3f: {  	_ =	shalt  }
0x40: {  	_ =	shalt  }
0x41: {  	_ =	shalt  }
0x42: {  	_ =	shalt  }
0x43: {  	_ =	shalt  }
0x44: {  	_ =	shalt  }
0x45: {  	_ =	shalt  }
0x46: {  	_ =	shalt  }
0x47: {  	_ =	shalt  }
0x48: {  	_ =	shalt  }
0x49: {  	_ =	shalt  }
0x4a: {  	_ =	shalt  }
0x4b: {  	_ =	shalt  }
0x4c: {  	_ =	shalt  }
0x4d: {  	_ =	shalt  }
0x4e: {  	_ =	shalt  }
0x4f: {  	_ =	shalt  }
0x50: {  	_ =	shalt  }
0x51: {  	_ =	shalt  }
0x52: {  	_ =	shalt  }
0x53: {  	_ =	shalt  }
0x54: {  	_ =	shalt  }
0x55: {  	_ =	shalt  }
0x56: {  	_ =	shalt  }
0x57: {  	_ =	shalt  }
0x58: {  	_ =	shalt  }
0x59: {  	_ =	shalt  }
0x5a: {  	_ =	shalt  }
0x5b: {  	_ =	shalt  }
0x5c: {  	_ =	shalt  }
0x5d: {  	_ =	shalt  }
0x5e: {  	_ =	shalt  }
0x5f: {  	_ =	shalt  }
0x60: {  	_ =	shalt  }
0x61: {  	_ =	shalt  }
0x62: {  	_ =	shalt  }
0x63: {  	_ =	shalt  }
0x64: {  	_ =	shalt  }
0x65: {  	_ =	shalt  }
0x66: {  	_ =	shalt  }
0x67: {  	_ =	shalt  }
0x68: {  	_ =	shalt  }
0x69: {  	_ =	shalt  }
0x6a: {  	_ =	shalt  }
0x6b: {  	_ =	shalt  }
0x6c: {  	_ =	shalt  }
0x6d: {  	_ =	shalt  }
0x6e: {  	_ =	shalt  }
0x6f: {  	_ =	shalt  }
0x70: {  	_ =	shalt  }
0x71: {  	_ =	shalt  }
0x72: {  	_ =	shalt  }
0x73: {  	_ =	shalt  }
0x74: {  	_ =	shalt  }
0x75: {  	_ =	shalt  }
0x76: {  	_ =	shalt  }
0x77: {  	_ =	shalt  }
0x78: {  	_ =	shalt  }
0x79: {  	_ =	shalt  }
0x7a: {  	_ =	shalt  }
0x7b: {  	_ =	shalt  }
0x7c: {  	_ =	shalt  }
0x7d: {  	_ =	shalt  }
0x7e: {  	_ =	shalt  }
0x7f: {  	_ =	shalt  }
0x80: {  	_ =	shalt  }
0x81: {  	_ =	shalt  }
0x82: {  	_ =	shalt  }
0x83: {  	_ =	shalt  }
0x84: {  	_ =	shalt  }
0x85: {  	_ =	shalt  }
0x86: {  	_ =	shalt  }
0x87: {  	_ =	shalt  }
.Lfunc_end0:
.L_simem_size_0:
called_computation_lowered:
.L_overlay_start_0:
0x88: {  	s2 =	sld [smem:$0x3FD9]  }
0x89: {  	s3 =	sld [smem:$0x3FFE];
	_ =	sdelay $0x1  }
0x8a: {  	s1 =	srdreg.scid  }
0x8b: {  	s0 =	sand.u32 $0x1, s1  }
0x8c: {  	s17 =	sshll.u32 s0, $0xA;
	s2 =	sadd.s32 s3, s2  }
0x8d: {  	s2 =	sadd.s32 s2, s17  }
0x8e: {  	[smem:$0x3FC6] =	sst s2  }
0x8f: {  	_ = 	snop  }
0x90: {  	s2 =	sld [smem:$0x3FC8];
	(tm) =	ssettm $0x1  }
0x91: {  	s18 =	sld [smem:$0x3FFB];
	_ =	sdelay $0x3  }
0x92: {  	_ =	strace s18  }
0x93: {  	s3 =	sld [smem:$0x3FFC];
	_ =	sdelay $0x3  }
0x94: {  	_ =	strace s3  }
0x95: {  	s3 =	sld [smem:$0x3FFD];
	_ =	sdelay $0x3  }
0x96: {  	_ =	strace s3  }
0x97: {  	_ =	strace $0x8FFFFFFF  }
0x98: {  	s19 =	sld [smem:$0x3FDB];
	_ =	sdelay $0x1  }
0x99: {  	s4 =	simm.s32 $_scs_section_size  }
0x9a: {  	s5 =	simm.s32 $_size__tile_overlayer_lowered;
	s6 =	simm.s32 $_tile_overlayer_lowered  }
0x9b: {  	s22 =	simm.s32 $0x1BFF;
	s21 =	sshll.u32 s6, $0x1;
	s3 =	sadd.s32 s4, s19  }
0x9c: {  	s7 =	simm.s32 $0x0;
	s20 =	sshll.u32 s5, $0x1;
	s5 =	sadd.s32 s21, s3  }
0x9d: {  	[timem:s7], [sflag:s22] =	dma.local [hbm:s5], s20  }
0x9e: {  	_ =	swait.ge [sflag:s22], s20  }
0x9f: {  	s4 =	ssub.s32 $0x0, s20;
	[sflag:s22] =	ssyncset.done $0x0  }
0xa0: {  	[sflag:s22] =	ssyncadd.s32 s4;
	_ =	sdelay $0x1  }
0xa1: {  	s23 =	simm.s32 $0x1B8B  }
0xa2: {  	_ =	swait.ge [sflag:s23], $0x1  }
0xa3: {  	[sflag:s23] =	ssyncset.done $0x0  }
0xa4: {  	s25 =	simm.s32 $0x1B8E;
	s24 =	sld [smem:$0x3FFE];
	[sflag:s23] =	ssyncadd.s32 $0xFFFFFFFF  }
0xa5: {  	s26 =	simm.s32 $execute0_lowered;
	[smem:$0x3FD2] =	sst s25  }
0xa6: {  	s5 =	sshll.u32 s26, $0x1;
	_ =	strace $0x80000046;
	[dreg:$0x1] =	wrdreg $0xFFFFFFFF  }
0xa7: {  	s28 =	simm.s32 $_size_execute0_lowered;
	s3 =	sadd.s32 s3, s5;
	[dreg:$0x0] =	wrdreg $0x0  }
0xa8: {  	s5 =	sshll.u32 s28, $0x1;
	[dreg:$0x2] =	wrdreg s3  }
0xa9: {  	[dreg:$0x3] =	wrdreg s5  }
0xaa: {  	[dreg:$0x4] =	wrdreg $0xC0  }
0xab: {  	_ =	task [dreg:s7], $0x5FFFF  }
0xac: {  	[dreg:$0x1] =	wrdreg $0xFFFFFFFF  }
0xad: {  	[dreg:$0x0] =	wrdreg $0x60  }
0xae: {  	[dreg:$0x2] =	wrdreg s2  }
0xaf: {  	[dreg:$0x3] =	wrdreg s24  }
0xb0: {  	[dreg:$0x4] =	wrdreg $0x9  }
0xb1: {  	_ =	task.clear_ibuf [dreg:s7], $0x5FFFF;
	_ =	strace $0x90000046  }
0xb2: {  	s29 =	simm.s32 $0x9;
	_ =	strace $0x80000048  }
0xb3: {  	_ =	swait.ge [sflag:s29], $0x1  }
0xb4: {  	[sflag:s29] =	ssyncadd.s32 $0xFFFFFFFF  }
0xb5: {  	_ =	strace $0x90000048  }
0xb6: {  	_ =	sfence  }
0xb7: {  	s30 =	sld [smem:$0x0];
	_ =	sdelay $0x2  }
0xb8: {  	s31 =	sshll.u32 s1, $0xD;
	s1 =	sshrl.u32 s1, $0x2  }
0xb9: {  	s3 =	sand.u32 $0x4000, s31;
	s1 =	sadd.s32 s1, s30  }
0xba: {  	s0 =	sor.u32 s3, s0;
	s1 =	sshll.u32 s1, $0x11  }
0xbb: {  	s0 =	sor.u32 s1, s0  }
0xbc: {  	s0 =	sadd.s32 $0x8F2B, s0  }
0xbd: {  	[sflag:s0] =	ssyncadd.remote.s32 $0x1  }
0xbe: {  	_ =	sfence.sel $0xFFFF  }
0xbf: {  	[dreg:$0x0] =	wrdreg $0xFFFFFFFF;
	(pc) =	sbr.abs _section_cstart, $3  }
0xc0: {  	[dreg:$0x1] =	wrdreg $0xFFFFFFFF  }
0xc1: {  	_ =	task.clear_ibuf [dreg:s7], $0x2FFFF;
	_ =	strace $0x9FFFFFFF  }
0xc2: {  	(tm) =	ssettm $0x7FFFFFFF  }
0xc3: {  	_ =	shalt  }
tec
execute0_lowered:
.L_overlay_start_1:
0x0: {  	(tag) =	ssettag $0x1  }
0x1: {  	s2 =	rddreg [dreg:$0x0]  }
0x2: {  	s4 =	rddreg [dreg:$0x1]  }
0x3: {  	s1 =	stileid.u32;
	s0 =	rddreg [dreg:$0x2]  }
0x4: {  	s5 =	srdreg.scid;
	s3 =	simm.s32 $0x0;
	s6 =	sshll.u32 s1, $0x1  }
0x5: {  	s7 =	sand.u32 $0x1, s5;
	s30 =	sshrl.u32 s1, $0x3;
	s29 =	sand.u32 $0xE, s6  }
0x6: {  	[smem:$0x7FF] =	sst s3;
	s5 =	smul.u32 $0x7A1400, s30;
	s6 =	sor.u32 s7, s29  }
0x7: {  	s4 =	sadd.s32 $0x600, s4;
	s11 =	sand.u32 $0x7, s1;
	s8 =	smul.u32 $0x1E9, s6  }
0x8: {  	_ =	strace $0x80000047;
	s9 =	ssub.s32 $0x2, s7;
	s11 =	smul.u32 $0x3D2, s11  }
0x9: {  	s12 =	smul.u32 $0x1E9, s7;
	s10 =	sshrl.u32 s9, $0x1;
	s8 =	smin.u32 s8, $0x1C95  }
0xa: {  	s6 =	smul.u32 $0x7A400, s6;
	s31 =	ssub.s32 s9, s10;
	s8 =	sshll.u32 s8, $0xA  }
0xb: {  	s9 =	sadd.s32 s12, s11;
	s10 =	simm.s32 $0x3;
	s8 =	sadd.s32 s5, s8  }
0xc: {  	s11 =	simm.s32 $0x1;
	s6 =	sadd.s32 s5, s6;
	s8 =	sshrl.u32 s8, $0x3  }
0xd: {  	s12 =	simm.s32 $0x0;
	s6 =	sshrl.u32 s6, $0x3;
	s8 =	sadd.s32 s4, s8  }
0xe: {  	s7 =	smax.u32 s31, $0x1;
	s6 =	sadd.s32 s2, s6;
	s8 =	sadd.s32 $0xF000, s8  }
.LBB2_1:
0xf: {  	[tilespmem:s3], [sflag:$0x1] =	stream.linear.gather [hbm4b:s6+s3], $0x4000, $0x38;
	[tilespmem:$0x8000] =	vst v63  }
0x10: {  	s13 =	sadd.s32 $0x10, s9  }
0x11: {  	p0 =	slt.s32 s13, $0x1E75;
	s15 =	smov.u32 s13  }
0x12: {  	s14 =	simm.s32 $0x1;
	s18 =	sand.u32 $0x1, s3;
	s15 =	simm.s32 @!p0 $0x1E75  }
0x13: {  	s19 =	smov.u32 s9;
	s16 =	sand.u32 $0x1, s14;
	s15 =	sshll.u32 s15, $0xA  }
0x14: {  	s29 =	sadd.s32 $0x1, s18;
	p0 =	slt.s32 s9, $0x1E75;
	s15 =	sadd.s32 s5, s15  }
0x15: {  	s17 =	sadd.s32 $0x1, s16;
	s19 =	simm.s32 @!p0 $0x1E75;
	s15 =	sshrl.u32 s15, $0x3  }
0x16: {  	s16 =	sshll.u32 s16, $0xE;
	s30 =	sshll.u32 s19, $0xA;
	s15 =	sadd.s32 s2, s15  }
0x17: {  	[tilespmem:s16], [sflag:s17] =	stream.linear.gather [hbm4b:s15+s3], $0x4000, $0x38;
	[tilespmem:$0x8000] =	vst v63  }
0x18: {  	s31 =	sshll.u32 s18, $0xE;
	s16 =	sadd.s32 s5, s30;
	_ =	swait.ge [sflag:s29], $0x4000  }
0x19: {  	s17 =	simm.s32 $0x2;
	s16 =	sshrl.u32 s16, $0x3;
	[sflag:s29] =	ssyncset.done $0x0  }
0x1a: {  	s15 =	sadd.s32 $0x10, s13;
	s16 =	sadd.s32 s4, s16;
	[sflag:s29] =	ssyncadd.s32 $0xFFFFC000  }
0x1b: {  	[hbm4b:s16+s3] =	stream.linear.scatter [tilespmem:s31], [sflag:$0x3], $0x4000, $0x38;
	[tilespmem:$0x8000] =	vst v63  }
0x1c: {  	p1 =	slt.s32 s15, $0x1E75;
	s16 =	sand.u32 $0x1, s17;
	_ =	swait.ge [sflag:s10], $0x4000  }
.LBB2_2:
0x1d: {  	s18 =	smov.u32 s15;
	[sflag:s10] =	ssyncset.done $0x0  }
0x1e: {  	s19 =	smov.u32 s17;
	s20 =	sadd.s32 $0x1, s17;
	s21 =	smov.u32 s13  }
0x1f: {  	s13 =	smov.u32 s15;
	s23 =	sadd.s32 $0x1, s16;
	s18 =	simm.s32 @!p1 $0x1E75  }
0x20: {  	s22 =	sand.u32 $0x1, s20;
	s18 =	sshll.u32 s18, $0xA;
	[sflag:s10] =	ssyncadd.s32 $0xFFFFC000  }
0x21: {  	s14 =	sand.u32 $0x1, s14;
	s16 =	sshll.u32 s16, $0xE;
	s18 =	sadd.s32 s5, s18  }
0x22: {  	s24 =	sadd.s32 $0x1, s14;
	p0 =	slt.s32 s21, $0x1E75;
	s18 =	sshrl.u32 s18, $0x3  }
0x23: {  	s15 =	sadd.s32 $0x10, s15;
	s21 =	simm.s32 @!p0 $0x1E75;
	s18 =	sadd.s32 s2, s18  }
0x24: {  	[tilespmem:s16], [sflag:s23] =	stream.linear.gather [hbm4b:s18+s3], $0x4000, $0x38;
	[tilespmem:$0x8000] =	vst v63  }
0x25: {  	p0 =	sne.s32 s17, $0x1D;
	s16 =	sshll.u32 s21, $0xA;
	_ =	swait.ge [sflag:s24], $0x4000  }
.Ltmp0:
0x26: {  	s16 =	sadd.s32 s5, s16;
	[sflag:s24] =	ssyncset.done $0x0;
	(pc) =	sbr.rel @p0 .LBB2_2-.Ltmp0, $4  }
0x27: {  	s17 =	sshll.u32 s14, $0xE;
	s14 =	sshrl.u32 s16, $0x3;
	[sflag:s24] =	ssyncadd.s32 $0xFFFFC000  }
0x28: {  	p1 =	slt.s32 s15, $0x1E75;
	s16 =	sadd.s32 s4, s14;
	s14 =	smov.u32 s19  }
0x29: {  	[hbm4b:s16+s3] =	stream.linear.scatter [tilespmem:s17], [sflag:$0x3], $0x4000, $0x38;
	[tilespmem:$0x8000] =	vst v63  }
0x2a: {  	s16 =	smov.u32 s22;
	s17 =	smov.u32 s20;
	_ =	swait.ge [sflag:s10], $0x4000  }
0x2b: {  	s15 =	simm.s32 @!p1 $0x1E75;
	[sflag:s10] =	ssyncset.done $0x0  }
0x2c: {  	s17 =	sadd.s32 $0x1, s16;
	s14 =	sand.u32 $0x1, s14;
	s15 =	sshll.u32 s15, $0xA  }
0x2d: {  	p0 =	slt.s32 s13, $0x1E75;
	s30 =	sshll.u32 s16, $0xE;
	s15 =	sadd.s32 s5, s15  }
0x2e: {  	[sflag:s10] =	ssyncadd.s32 $0xFFFFC000;
	s13 =	simm.s32 @!p0 $0x1E75;
	s15 =	sshrl.u32 s15, $0x3  }
0x2f: {  	s31 =	sadd.s32 $0x1, s14;
	s13 =	sshll.u32 s13, $0xA;
	s15 =	sadd.s32 s2, s15  }
0x30: {  	[tilespmem:s30], [sflag:s17] =	stream.linear.gather [hbm4b:s15+s3], $0x4000, $0x38;
	[tilespmem:$0x8000] =	vst v63  }
0x31: {  	s13 =	sadd.s32 s5, s13;
	_ =	swait.ge [sflag:s31], $0x4000  }
0x32: {  	s13 =	sshrl.u32 s13, $0x3;
	[sflag:s31] =	ssyncset.done $0x0  }
0x33: {  	s14 =	sshll.u32 s14, $0xE;
	s13 =	sadd.s32 s4, s13;
	[sflag:s31] =	ssyncadd.s32 $0xFFFFC000  }
0x34: {  	[hbm4b:s13+s3] =	stream.linear.scatter [tilespmem:s14], [sflag:$0x3], $0x4000, $0x38;
	[tilespmem:$0x8000] =	vst v63  }
0x35: {  	_ =	swait.ge [sflag:s10], $0x4000  }
0x36: {  	[sflag:s10] =	ssyncset.done $0x0  }
0x37: {  	[sflag:s10] =	ssyncadd.s32 $0xFFFFC000  }
0x38: {  	s12 =	sadd.s32 $0x1, s12;
	_ =	swait.ge [sflag:s11], $0x4000  }
0x39: {  	p0 =	sne.s32 s12, s7;
	[sflag:s11] =	ssyncset.done $0x0  }
.Ltmp1:
0x3a: {  	[sflag:s11] =	ssyncadd.s32 $0xFFFFC000;
	(pc) =	sbr.rel @p0 .LBB2_1-.Ltmp1, $4  }
0x3b: {  	[hbm4b:s8+s3] =	stream.linear.scatter [tilespmem:s3], [sflag:$0x3], $0x4000, $0x38;
	[tilespmem:$0x8000] =	vst v63  }
0x3c: {  	_ =	swait.ge [sflag:s10], $0x4000  }
0x3d: {  	[sflag:s10] =	ssyncset.done $0x0  }
0x3e: {  	[sflag:s10] =	ssyncadd.s32 $0xFFFFC000  }
0x3f: {  	_ =	sfence.sel $0x180000  }
0x40: {  	[bflag:$0x0] =	sbarrier.arrive $0xFFFF  }
0x41: {  	p0 =	sne.s32 s1, $0x0;
	_ =	strace $0x90000047  }
0x42: {  	s0 =	sadd.s32 @!p0 $0x100000, s0;
	[bflag:$0x2] =	sbarrier.arrive $0xFFFF  }
0x43: {  	[sflag:s0] =	ssyncadd.tile.s32 @!p0 $0x1;
	_ =	shalt  }
.Lfunc_end2:
_tile_overlayer_lowered:
.L_overlay_start_2:
0x44: {  	(tag) =	ssettag $0x2  }
0x45: {  	s0 =	rddreg [dreg:$0x0];
	s2 =	stileid.u32  }
0x46: {  	s1 =	rddreg [dreg:$0x1];
	p0 =	sne.s32 s2, $0x0  }
0x47: {  	s3 =	rddreg [dreg:$0x2];
	[bflag:$0x3] =	sbarrier.arrive $0xFFFF;
	s2 =	simm.s32 @!p0 $0x1C04  }
0x48: {  	[timem:s3], [sflag:s2] =	dma.local @!p0 [hbm:s0], s1  }
0x49: {  	s0 =	simm.s32 @!p0 $0x4  }
0x4a: {  	_ =	swait.ge @!p0 [sflag:s0], s1  }
0x4b: {  	s1 =	ssub.s32 @!p0 $0x0, s1;
	[sflag:s0] =	ssyncset.done @!p0 $0x0  }
0x4c: {  	[sflag:s0] =	ssyncadd.s32 @!p0 s1  }
0x4d: {  	[bflag:$0x3] =	sbarrier.arrive $0xFFFF  }
0x4e: {  	_ =	shalt  }

// kernel: kernel.7.cloned.1.call-start
scs
__scs_entry_jumppad:
0x0: {  	(pc) =	sbr.rel $0x88, $3  }
0x1: {  	(tag) =	ssettag $0x0;
	lr =	simm.s32 $0x1  }
0x2: {  	[smem:$0x3F9F] =	sst lr;
	_ =	strace $0xD0000000  }
0x3: {  	_ = 	snop  }
0x4: {  	_ = 	snop  }
0x5: {  	_ = 	snop  }
0x6: {  	_ = 	snop  }
0x7: {  	_ = 	snop  }
__scs_overlays_trampoline_lowered:
0x8: {  	[smem:$0x3FAE] =	sst s0  }
0x9: {  	[smem:$0x3FAF] =	sst s1  }
0xa: {  	[smem:$0x3FB0] =	sst s2  }
0xb: {  	[smem:$0x3FB1] =	sst s3  }
0xc: {  	[smem:$0x3FB2] =	sst s4  }
0xd: {  	[smem:$0x3FB3] =	sst s5  }
0xe: {  	[smem:$0x3FB4] =	sst s6  }
0xf: {  	[smem:$0x3FB5] =	sst s7  }
0x10: {  	[smem:$0x3FB6] =	sst s8  }
0x11: {  	[smem:$0x3FB7] =	sst s9;
	s0 =	simm.s32 @!p0 $0x0  }
0x12: {  	s1 =	sld [smem:$0x3F9D];
	s0 =	simm.s32 @p0 $0x1  }
0x13: {  	[smem:$0x3FB8] =	sst s0;
	s0 =	simm.s32 @!p1 $0x0  }
0x14: {  	s2 =	sld [smem:$0x3F9C];
	s0 =	simm.s32 @p1 $0x1  }
0x15: {  	[smem:$0x3FB9] =	sst s0;
	s0 =	simm.s32 @!p2 $0x0  }
0x16: {  	s3 =	sld [smem:$0x3FDB];
	s0 =	simm.s32 @p2 $0x1  }
0x17: {  	s4 =	simm.s32 $0x1BF5;
	[smem:$0x3FBB] =	sst s0  }
0x18: {  	s0 =	sld [smem:$0x3F9E];
	_ =	swait.ge [sflag:s4], $0x0  }
0x19: {  	s7 =	sld [smem:$0x3F9F]  }
0x1a: {  	s8 =	sadd.s32 $0xFFFFE003, lr  }
0x1b: {  	s9 =	sadd.s32 $0xFFFFFEF7, lr;
	s5 =	simm.s32 $0xFFFFFFFF;
	p2 =	slt.u32 s8, $0xFFFFF086  }
0x1c: {  	p1 =	slt.u32 s9, $0xF7A;
	s5 =	simm.s32 @!p2 $0x0  }
0x1d: {  	s5 =	simm.s32 @p1 $0x1;
	p0 =	seq.s32 s7, s2  }
0x1e: {  	s7 =	smul.u32 @!p0 $0xF7A, s2;
	p2 =	seq.s32 @!p0 s5, $0x0  }
0x1f: {  	s9 =	smul.u32 $0xF7A, s1;
	s8 =	simm.s32 @!p0 $0x1BF5;
	p2 =	por !p2, p0  }
0x20: {  	[sflag:s8] =	ssyncset.s32 @!p0 $0xFFFFF086;
	s6 =	sadd.s32 @!p0 s3, s7;
	s7 =	simm.s32 @!p0 $0x108  }
0x21: {  	s3 =	sadd.s32 s3, s9;
	s6 =	sadd.s32 @!p0 $0x88, s6;
	s7 =	simm.s32 @p2 $0x1082  }
0x22: {  	[simem:s7], [sflag:s8] =	dma.local @!p0 [hbm:s6], $0xF7A  }
0x23: {  	s9 =	sor.u32 $0xD0000000, s2;
	s6 =	simm.s32 $0x108;
	_ =	swait.ge @!p0 [sflag:s8], $0x0  }
0x24: {  	s3 =	sadd.s32 $0x88, s3;
	s6 =	simm.s32 @!p1 $0x1082;
	[sflag:s4] =	ssyncset.s32 $0xFFFFF086  }
0x25: {  	[simem:s6], [sflag:s4] =	dma.local [hbm:s3], $0xF7A  }
0x26: {  	[smem:$0x3F9F] =	sst s1;
	(tag) =	ssettag s2;
	_ =	strace s9  }
0x27: {  	s1 =	sld [smem:$0x3FAF]  }
0x28: {  	s2 =	sld [smem:$0x3FB0]  }
0x29: {  	s4 =	sld [smem:$0x3FB2]  }
0x2a: {  	p0 =	seq.s32 s5, $0x0;
	s5 =	sld [smem:$0x3FB3]  }
0x2b: {  	s6 =	sld [smem:$0x3FB4]  }
0x2c: {  	s7 =	sld [smem:$0x3FB5]  }
0x2d: {  	s3 =	simm.s32 $0x108;
	s8 =	sld [smem:$0x3FB6]  }
0x2e: {  	s3 =	simm.s32 @!p0 $0x1082;
	s9 =	sld [smem:$0x3FB7]  }
0x2f: {  	lr =	sadd.s32 s0, s3;
	s0 =	sld [smem:$0x3FAE]  }
0x30: {  	s3 =	sld [smem:$0x3FB1]  }
0x31: {  	[smem:$0x3FBA] =	sst s10  }
0x32: {  	s10 =	sld [smem:$0x3FB8];
	_ =	sdelay $0x3  }
0x33: {  	p0 =	seq.s32 s10, $0x1;
	s10 =	sld [smem:$0x3FBA];
	_ =	sdelay $0x3  }
0x34: {  	[smem:$0x3FBA] =	sst s10  }
0x35: {  	s10 =	sld [smem:$0x3FB9];
	_ =	sdelay $0x3  }
0x36: {  	p1 =	seq.s32 s10, $0x1;
	s10 =	sld [smem:$0x3FBA];
	_ =	sdelay $0x3  }
0x37: {  	[smem:$0x3FBA] =	sst s10  }
0x38: {  	s10 =	sld [smem:$0x3FBB]  }
0x39: {  	_ = 	snop;
	(pc) =	sbr.ind lr, $3  }
0x3a: {  	_ = 	snop  }
0x3b: {  	_ = 	snop  }
0x3c: {  	p2 =	seq.s32 s10, $0x1;
	s10 =	sld [smem:$0x3FBA]  }
0x3d: {  	_ =	shalt  }
0x3e: {  	_ =	shalt  }
0x3f: {  	_ =	shalt  }
0x40: {  	_ =	shalt  }
0x41: {  	_ =	shalt  }
0x42: {  	_ =	shalt  }
0x43: {  	_ =	shalt  }
0x44: {  	_ =	shalt  }
0x45: {  	_ =	shalt  }
0x46: {  	_ =	shalt  }
0x47: {  	_ =	shalt  }
0x48: {  	_ =	shalt  }
0x49: {  	_ =	shalt  }
0x4a: {  	_ =	shalt  }
0x4b: {  	_ =	shalt  }
0x4c: {  	_ =	shalt  }
0x4d: {  	_ =	shalt  }
0x4e: {  	_ =	shalt  }
0x4f: {  	_ =	shalt  }
0x50: {  	_ =	shalt  }
0x51: {  	_ =	shalt  }
0x52: {  	_ =	shalt  }
0x53: {  	_ =	shalt  }
0x54: {  	_ =	shalt  }
0x55: {  	_ =	shalt  }
0x56: {  	_ =	shalt  }
0x57: {  	_ =	shalt  }
0x58: {  	_ =	shalt  }
0x59: {  	_ =	shalt  }
0x5a: {  	_ =	shalt  }
0x5b: {  	_ =	shalt  }
0x5c: {  	_ =	shalt  }
0x5d: {  	_ =	shalt  }
0x5e: {  	_ =	shalt  }
0x5f: {  	_ =	shalt  }
0x60: {  	_ =	shalt  }
0x61: {  	_ =	shalt  }
0x62: {  	_ =	shalt  }
0x63: {  	_ =	shalt  }
0x64: {  	_ =	shalt  }
0x65: {  	_ =	shalt  }
0x66: {  	_ =	shalt  }
0x67: {  	_ =	shalt  }
0x68: {  	_ =	shalt  }
0x69: {  	_ =	shalt  }
0x6a: {  	_ =	shalt  }
0x6b: {  	_ =	shalt  }
0x6c: {  	_ =	shalt  }
0x6d: {  	_ =	shalt  }
0x6e: {  	_ =	shalt  }
0x6f: {  	_ =	shalt  }
0x70: {  	_ =	shalt  }
0x71: {  	_ =	shalt  }
0x72: {  	_ =	shalt  }
0x73: {  	_ =	shalt  }
0x74: {  	_ =	shalt  }
0x75: {  	_ =	shalt  }
0x76: {  	_ =	shalt  }
0x77: {  	_ =	shalt  }
0x78: {  	_ =	shalt  }
0x79: {  	_ =	shalt  }
0x7a: {  	_ =	shalt  }
0x7b: {  	_ =	shalt  }
0x7c: {  	_ =	shalt  }
0x7d: {  	_ =	shalt  }
0x7e: {  	_ =	shalt  }
0x7f: {  	_ =	shalt  }
0x80: {  	_ =	shalt  }
0x81: {  	_ =	shalt  }
0x82: {  	_ =	shalt  }
0x83: {  	_ =	shalt  }
0x84: {  	_ =	shalt  }
0x85: {  	_ =	shalt  }
0x86: {  	_ =	shalt  }
0x87: {  	_ =	shalt  }
.Lfunc_end0:
.L_simem_size_0:
called_computation.1_lowered:
.L_overlay_start_0:
0x88: {  	s2 =	sld [smem:$0x3FD9]  }
0x89: {  	s3 =	sld [smem:$0x3FFE];
	_ =	sdelay $0x1  }
0x8a: {  	s1 =	srdreg.scid  }
0x8b: {  	s0 =	sand.u32 $0x1, s1  }
0x8c: {  	s17 =	sshll.u32 s0, $0xA;
	s2 =	sadd.s32 s3, s2  }
0x8d: {  	s2 =	sadd.s32 s2, s17  }
0x8e: {  	[smem:$0x3FC6] =	sst s2  }
0x8f: {  	_ = 	snop  }
0x90: {  	s2 =	sld [smem:$0x3FC9];
	(tm) =	ssettm $0x1  }
0x91: {  	s18 =	sld [smem:$0x3FFB];
	_ =	sdelay $0x3  }
0x92: {  	_ =	strace s18  }
0x93: {  	s3 =	sld [smem:$0x3FFC];
	_ =	sdelay $0x3  }
0x94: {  	_ =	strace s3  }
0x95: {  	s3 =	sld [smem:$0x3FFD];
	_ =	sdelay $0x3  }
0x96: {  	_ =	strace s3  }
0x97: {  	_ =	strace $0x8FFFFFFF  }
0x98: {  	s19 =	sld [smem:$0x3FDB];
	_ =	sdelay $0x1  }
0x99: {  	s4 =	simm.s32 $_scs_section_size  }
0x9a: {  	s5 =	simm.s32 $_size__tile_overlayer_lowered;
	s6 =	simm.s32 $_tile_overlayer_lowered  }
0x9b: {  	s22 =	simm.s32 $0x1BFF;
	s21 =	sshll.u32 s6, $0x1;
	s3 =	sadd.s32 s4, s19  }
0x9c: {  	s7 =	simm.s32 $0x0;
	s20 =	sshll.u32 s5, $0x1;
	s5 =	sadd.s32 s21, s3  }
0x9d: {  	[timem:s7], [sflag:s22] =	dma.local [hbm:s5], s20  }
0x9e: {  	_ =	swait.ge [sflag:s22], s20  }
0x9f: {  	s4 =	ssub.s32 $0x0, s20;
	[sflag:s22] =	ssyncset.done $0x0  }
0xa0: {  	[sflag:s22] =	ssyncadd.s32 s4;
	_ =	sdelay $0x1  }
0xa1: {  	s23 =	simm.s32 $0x1B8B  }
0xa2: {  	_ =	swait.ge [sflag:s23], $0x1  }
0xa3: {  	[sflag:s23] =	ssyncset.done $0x0  }
0xa4: {  	s25 =	simm.s32 $0x1B8E;
	s24 =	sld [smem:$0x3FFE];
	[sflag:s23] =	ssyncadd.s32 $0xFFFFFFFF  }
0xa5: {  	s26 =	simm.s32 $execute0_lowered;
	[smem:$0x3FD2] =	sst s25  }
0xa6: {  	s5 =	sshll.u32 s26, $0x1;
	_ =	strace $0x80000049;
	[dreg:$0x1] =	wrdreg $0xFFFFFFFF  }
0xa7: {  	s28 =	simm.s32 $_size_execute0_lowered;
	s3 =	sadd.s32 s3, s5;
	[dreg:$0x0] =	wrdreg $0x0  }
0xa8: {  	s5 =	sshll.u32 s28, $0x1;
	[dreg:$0x2] =	wrdreg s3  }
0xa9: {  	[dreg:$0x3] =	wrdreg s5  }
0xaa: {  	[dreg:$0x4] =	wrdreg $0xC0  }
0xab: {  	_ =	task [dreg:s7], $0x5FFFF  }
0xac: {  	[dreg:$0x1] =	wrdreg $0xFFFFFFFF  }
0xad: {  	[dreg:$0x0] =	wrdreg $0x60  }
0xae: {  	[dreg:$0x2] =	wrdreg s2  }
0xaf: {  	[dreg:$0x3] =	wrdreg s24  }
0xb0: {  	[dreg:$0x4] =	wrdreg $0x9  }
0xb1: {  	_ =	task.clear_ibuf [dreg:s7], $0x5FFFF;
	_ =	strace $0x90000049  }
0xb2: {  	s29 =	simm.s32 $0x9;
	_ =	strace $0x8000004B  }
0xb3: {  	_ =	swait.ge [sflag:s29], $0x1  }
0xb4: {  	[sflag:s29] =	ssyncadd.s32 $0xFFFFFFFF  }
0xb5: {  	_ =	strace $0x9000004B  }
0xb6: {  	_ =	sfence  }
0xb7: {  	s30 =	sld [smem:$0x0];
	_ =	sdelay $0x2  }
0xb8: {  	s31 =	sshll.u32 s1, $0xD;
	s1 =	sshrl.u32 s1, $0x2  }
0xb9: {  	s3 =	sand.u32 $0x4000, s31;
	s1 =	sadd.s32 s1, s30  }
0xba: {  	s0 =	sor.u32 s3, s0;
	s1 =	sshll.u32 s1, $0x11  }
0xbb: {  	s0 =	sor.u32 s1, s0  }
0xbc: {  	s0 =	sadd.s32 $0x8F2B, s0  }
0xbd: {  	[sflag:s0] =	ssyncadd.remote.s32 $0x1  }
0xbe: {  	_ =	sfence.sel $0xFFFF  }
0xbf: {  	[dreg:$0x0] =	wrdreg $0xFFFFFFFF;
	(pc) =	sbr.abs _section_cstart, $3  }
0xc0: {  	[dreg:$0x1] =	wrdreg $0xFFFFFFFF  }
0xc1: {  	_ =	task.clear_ibuf [dreg:s7], $0x2FFFF;
	_ =	strace $0x9FFFFFFF  }
0xc2: {  	(tm) =	ssettm $0x7FFFFFFF  }
0xc3: {  	_ =	shalt  }
tec
execute0_lowered:
.L_overlay_start_1:
0x0: {  	(tag) =	ssettag $0x1  }
0x1: {  	v0 =	vlaneseq.u32;
	s4 =	rddreg [dreg:$0x0]  }
0x2: {  	s5 =	rddreg [dreg:$0x1];
	v1 =	vmul.u32 $0x10, v0  }
0x3: {  	s0 =	rddreg [dreg:$0x2];
	v17 =	vor.u32 $0x200, v0;
	v18 =	vor.u32 $0x400, v0;
	v19 =	vor.u32 $0x600, v0  }
0x4: {  	s1 =	simm.s32 $0x0;
	s3 =	srdreg.scid;
	s2 =	stileid.u32;
	v20 =	vor.u32 $0x800, v0;
	v21 =	vor.u32 $0xA00, v0;
	v22 =	vor.u32 $0xC00, v0  }
0x5: {  	s10 =	simm.s32 $0x200;
	s11 =	simm.s32 $0xA00;
	s12 =	simm.s32 $0x1;
	v23 =	vor.u32 $0xE00, v0;
	v24 =	vor.u32 $0x1000, v0;
	v25 =	vor.u32 $0x1200, v0  }
0x6: {  	s13 =	simm.s32 $0x8A00;
	s14 =	simm.s32 $0x4000;
	s15 =	simm.s32 $0x9A00;
	v26 =	vor.u32 $0x1400, v0;
	v27 =	vor.u32 $0x1600, v0;
	v28 =	vor.u32 $0x1800, v0  }
0x7: {  	s16 =	simm.s32 $0x0;
	[smem:$0x7FF] =	sst s1;
	s3 =	sand.u32 $0x1, s3;
	v29 =	vor.u32 $0x1A00, v0;
	v30 =	vor.u32 $0x1C00, v0;
	v31 =	vor.u32 $0x1E00, v0  }
0x8: {  	s6 =	sshll.u32 s2, $0x7;
	s7 =	sshll.u32 s3, $0x6;
	s8 =	ssub.s32 $0x2, s3;
	v2 =	vor.u32 $0x7800, v1;
	v3 =	vor.u32 $0x7000, v1;
	v4 =	vor.u32 $0x6800, v1  }
0x9: {  	_ =	strace $0x8000004A;
	v5 =	vor.u32 $0x6000, v1;
	v6 =	vor.u32 $0x5800, v1;
	v7 =	vor.u32 $0x5000, v1;
	s6 =	sor.u32 s7, s6;
	s31 =	sshrl.u32 s8, $0x1  }
0xa: {  	s3 =	sadd.s32 $0x1E8C00, s5;
	v8 =	vor.u32 $0x4800, v1;
	v9 =	vor.u32 $0x4000, v1;
	v10 =	vor.u32 $0x3800, v1;
	s9 =	sadd.s32 s6, s5;
	s7 =	ssub.s32 s8, s31  }
0xb: {  	v11 =	vor.u32 $0x3000, v1;
	v12 =	vor.u32 $0x2800, v1;
	v13 =	vor.u32 $0x2000, v1;
	s4 =	sadd.s32 s4, s6;
	s8 =	simm.s32 $0x2;
	s5 =	sadd.s32 $0x600, s9  }
0xc: {  	v14 =	vor.u32 $0x1800, v1;
	v15 =	vor.u32 $0x1000, v1;
	v16 =	vor.u32 $0x800, v1;
	s6 =	sadd.s32 $0x4600, s9;
	s7 =	smax.u32 s7, $0x1;
	s9 =	simm.s32 $0x800  }
.LBB2_1:
0xd: {  	[tilespmem:s1], [sflag:$0x2] =	stream.linear.gather [hbm4b:s4+s1], $0x200, $0x38;
	[tilespmem:$0xAA00] =	vst v63  }
0xe: {  	_ =	swait.ge [sflag:s8], $0x200  }
0xf: {  	s17 =	simm.s32 $0x0;
	[sflag:s8] =	ssyncset.done $0x0  }
0x10: {  	s18 =	simm.s32 $0x0;
	s19 =	simm.s32 $0x0;
	[sflag:s8] =	ssyncadd.s32 $0xFFFFFE00  }
.LBB2_2:
0x11: {  	v32 =	vmov s18;
	_ =	sdelay $0x3  }
0x12: {  	s20 =	simm.s32 $0x0;
	s21 =	simm.s32 $0x40  }
.LBB2_3:
0x13: {  	p0 =	sne.s32 s21, $0x1C0;
	v33 =	vld.idx.msk [tilespmem:v32+s20+$0x0 ss:$0x1], $0xffff;
	_ =	sdelay $0x5  }
0x14: {  	v33 =	vshra.s32 v33, $0x4  }
0x15: {  	v34 =	vadd.s32 $0xF428, v33;
	v35 =	vadd.s32 $0x1E850, v33;
	v36 =	vadd.s32 $0x2DC78, v33;
	[tilespmem:s20+$0x200] =	vst v33  }
0x16: {  	v37 =	vadd.s32 $0x4C4C8, v33;
	v38 =	vadd.s32 $0x5B8F0, v33;
	[tilespmem:s20+$0x280] =	vst v34;
	v34 =	vadd.s32 $0x3D0A0, v33  }
0x17: {  	v39 =	vadd.s32 $0x7A140, v33;
	v40 =	vadd.s32 $0x89568, v33;
	[tilespmem:s20+$0x300] =	vst v35;
	v35 =	vadd.s32 $0x6AD18, v33  }
0x18: {  	v41 =	vadd.s32 $0xA7DB8, v33;
	v42 =	vadd.s32 $0xB71E0, v33;
	[tilespmem:s20+$0x380] =	vst v36;
	v36 =	vadd.s32 $0x98990, v33  }
0x19: {  	v43 =	vadd.s32 $0xD5A30, v33;
	[tilespmem:s20+$0x400] =	vst v34;
	v34 =	vadd.s32 $0xC6608, v33;
	v33 =	vadd.s32 $0xE4E58, v33  }
0x1a: {  	[tilespmem:s20+$0x480] =	vst v37  }
0x1b: {  	[tilespmem:s20+$0x500] =	vst v38  }
0x1c: {  	[tilespmem:s20+$0x580] =	vst v35  }
0x1d: {  	[tilespmem:s20+$0x600] =	vst v39  }
0x1e: {  	[tilespmem:s20+$0x680] =	vst v40  }
0x1f: {  	[tilespmem:s20+$0x700] =	vst v36  }
.Ltmp0:
0x20: {  	[tilespmem:s20+$0x780] =	vst v41;
	(pc) =	sbr.rel @p0 .LBB2_3-.Ltmp0, $4  }
0x21: {  	[tilespmem:s20+$0x800] =	vst v42  }
0x22: {  	[tilespmem:s20+$0x880] =	vst v34  }
0x23: {  	[tilespmem:s20+$0x900] =	vst v43  }
0x24: {  	[tilespmem:s20+$0x980] =	vst v33;
	s20 =	sshra.s32 s21, $0x2;
	s21 =	sadd.s32 $0x40, s21  }
0x25: {  	_ =	sdelay $0x3  }
0x26: {  	v32 =	vld.idx.msk [tilespmem:v32+s20+$0x0 ss:$0x1], $0xffff;
	_ =	sdelay $0x4  }
0x27: {  	v32 =	vshra.s32 v32, $0x4  }
0x28: {  	[tilespmem:s20+$0x200] =	vst v32;
	v33 =	vadd.s32 $0xF428, v32  }
0x29: {  	v34 =	vadd.s32 $0x1E850, v32;
	[tilespmem:s20+$0x280] =	vst v33  }
0x2a: {  	v44 =	vadd.s32 $0x2DC78, v32;
	[tilespmem:s20+$0x300] =	vst v34  }
0x2b: {  	v45 =	vadd.s32 $0x3D0A0, v32;
	[tilespmem:s20+$0x380] =	vst v44  }
0x2c: {  	v46 =	vadd.s32 $0x4C4C8, v32;
	[tilespmem:s20+$0x400] =	vst v45  }
0x2d: {  	v47 =	vadd.s32 $0x5B8F0, v32;
	[tilespmem:s20+$0x480] =	vst v46  }
0x2e: {  	v48 =	vadd.s32 $0x6AD18, v32;
	[tilespmem:s20+$0x500] =	vst v47  }
0x2f: {  	v49 =	vadd.s32 $0x7A140, v32;
	[tilespmem:s20+$0x580] =	vst v48  }
0x30: {  	v50 =	vadd.s32 $0x89568, v32;
	[tilespmem:s20+$0x600] =	vst v49  }
0x31: {  	v51 =	vadd.s32 $0x98990, v32;
	[tilespmem:s20+$0x680] =	vst v50  }
0x32: {  	v52 =	vadd.s32 $0xA7DB8, v32;
	[tilespmem:s20+$0x700] =	vst v51  }
0x33: {  	v53 =	vadd.s32 $0xB71E0, v32;
	[tilespmem:s20+$0x780] =	vst v52  }
0x34: {  	v54 =	vadd.s32 $0xC6608, v32;
	[tilespmem:s20+$0x800] =	vst v53  }
0x35: {  	v55 =	vadd.s32 $0xD5A30, v32;
	[tilespmem:s20+$0x880] =	vst v54  }
0x36: {  	v32 =	vadd.s32 $0xE4E58, v32;
	[tilespmem:s20+$0x900] =	vst v55  }
0x37: {  	[tilespmem:s20+$0x980] =	vst v32  }
0x38: {  	[tilespmem:s11], [sflag:$0x1] =	stream.indirect.gather [hbm4b:s3+s9], $0x10, s10, s9, $0xb8;
	[tilespmem:$0xAA00] =	vst v63  }
0x39: {  	_ =	swait.ge [sflag:s12], $0x8000  }
0x3a: {  	[sflag:s12] =	ssyncset.done $0x0  }
0x3b: {  	[sflag:s12] =	ssyncadd.s32 $0xFFFF8000  }
0x3c: {  	v56 =	vld [tilespmem:s18+$0x0]  }
0x3d: {  	s31 =	simm.s32 $0x0  }
0x3e: {  	v57 =	vmov s31  }
0x3f: {  	v33 =	vshll.u32 v57, $0x4  }
0x40: {  	v58 =	vadd.s32 v15, v33;
	v35 =	vadd.s32 v11, v33  }
0x41: {  	v36 =	vor.u32 v1, v33;
	v37 =	vadd.s32 v16, v33;
	v38 =	vand.u32 $0x8, v56  }
0x42: {  	v39 =	vadd.s32 v14, v33;
	v32 =	vand.u32 $0x7, v56;
	v37 =	vor.u32 v37, v38  }
0x43: {  	v40 =	vadd.s32 v12, v33;
	v36 =	vor.u32 v36, v38;
	v37 =	vor.u32 v32, v37  }
0x44: {  	v41 =	vadd.s32 v4, v33;
	v34 =	vor.u32 v58, v38;
	v36 =	vor.u32 v32, v36  }
0x45: {  	v42 =	vadd.s32 v13, v33;
	v39 =	vor.u32 v39, v38;
	v34 =	vor.u32 v32, v34  }
0x46: {  	v43 =	vadd.s32 v3, v33;
	v42 =	vor.u32 v42, v38;
	v39 =	vor.u32 v32, v39  }
0x47: {  	v44 =	vadd.s32 v8, v33;
	v40 =	vor.u32 v40, v38;
	v42 =	vor.u32 v32, v42  }
0x48: {  	v45 =	vadd.s32 v10, v33;
	v35 =	vor.u32 v35, v38;
	v40 =	vor.u32 v32, v40;
	v37 =	vld.idx.msk [tilespmem:v37+s11+$0x0], $0xffff  }
0x49: {  	v46 =	vadd.s32 v9, v33;
	v45 =	vor.u32 v45, v38;
	v35 =	vor.u32 v32, v35;
	v36 =	vld.idx.msk [tilespmem:v36+s11+$0x0], $0xffff  }
0x4a: {  	v47 =	vadd.s32 v5, v33;
	v46 =	vor.u32 v46, v38;
	v45 =	vor.u32 v32, v45;
	v34 =	vld.idx.msk [tilespmem:v34+s11+$0x0], $0xffff  }
0x4b: {  	v48 =	vadd.s32 v7, v33;
	v44 =	vor.u32 v44, v38;
	v46 =	vor.u32 v32, v46;
	v39 =	vld.idx.msk [tilespmem:v39+s11+$0x0], $0xffff  }
0x4c: {  	v49 =	vadd.s32 v6, v33;
	v48 =	vor.u32 v48, v38;
	v44 =	vor.u32 v32, v44;
	v42 =	vld.idx.msk [tilespmem:v42+s11+$0x0], $0xffff  }
0x4d: {  	v33 =	vadd.s32 v2, v33;
	v49 =	vor.u32 v49, v38;
	v48 =	vor.u32 v32, v48;
	v40 =	vld.idx.msk [tilespmem:v40+s11+$0x0], $0xffff  }
0x4e: {  	v47 =	vor.u32 v47, v38;
	v49 =	vor.u32 v32, v49;
	v35 =	vld.idx.msk [tilespmem:v35+s11+$0x0], $0xffff;
	v50 =	vmax.f32 v36, v37  }
0x4f: {  	v41 =	vor.u32 v41, v38;
	v47 =	vor.u32 v32, v47;
	v45 =	vld.idx.msk [tilespmem:v45+s11+$0x0], $0xffff;
	v50 =	vmax.f32 v50, v34  }
0x50: {  	v43 =	vor.u32 v43, v38;
	v41 =	vor.u32 v32, v41;
	v46 =	vld.idx.msk [tilespmem:v46+s11+$0x0], $0xffff;
	v50 =	vmax.f32 v50, v39  }
0x51: {  	v33 =	vor.u32 v33, v38;
	v43 =	vor.u32 v32, v43;
	v59 =	vld.idx.msk [tilespmem:v44+s11+$0x0], $0xffff;
	v60 =	vmax.f32 v50, v42  }
0x52: {  	v32 =	vor.u32 v32, v33;
	v61 =	vld.idx.msk [tilespmem:v48+s11+$0x0], $0xffff;
	v44 =	vmax.f32 v60, v40  }
0x53: {  	v62 =	vld.idx.msk [tilespmem:v49+s11+$0x0], $0xffff;
	v44 =	vmax.f32 v44, v35  }
0x54: {  	v47 =	vld.idx.msk [tilespmem:v47+s11+$0x0], $0xffff;
	v44 =	vmax.f32 v44, v45  }
0x55: {  	v41 =	vld.idx.msk [tilespmem:v41+s11+$0x0], $0xffff;
	v44 =	vmax.f32 v44, v46  }
0x56: {  	v43 =	vld.idx.msk [tilespmem:v43+s11+$0x0], $0xffff;
	v44 =	vmax.f32 v44, v59  }
0x57: {  	v32 =	vld.idx.msk [tilespmem:v32+s11+$0x0], $0xffff;
	v44 =	vmax.f32 v44, v61  }
0x58: {  	v44 =	vmax.f32 v44, v62  }
0x59: {  	v44 =	vmax.f32 v44, v47  }
0x5a: {  	v44 =	vmax.f32 v44, v41  }
0x5b: {  	v44 =	vmax.f32 v44, v43  }
0x5c: {  	v44 =	vmax.f32 v44, v32  }
0x5d: {  	v36 =	vsub.f32 v36, v44  }
0x5e: {  	v37 =	vsub.f32 v37, v44  }
0x5f: {  	v36 =	vmul.f32 $1.442695020e+00, v36  }
0x60: {  	v34 =	vsub.f32 v34, v44;
	v37 =	vmul.f32 $1.442695020e+00, v37  }
0x61: {  	(erf) = vpow2.f32 v36  }
0x62: {  	v63 =	vsub.f32 v39, v44;
	v34 =	vmul.f32 $1.442695020e+00, v34;
	(erf) = vpow2.f32 v37;
	_ =	sdelay $0x1  }
0x63: {  	v49 =	vsub.f32 v42, v44;
	v36 =	vmul.f32 $1.442695020e+00, v63;
	(erf) = vpow2.f32 v34;
	_ =	sdelay $0x1  }
0x64: {  	v50 =	vsub.f32 v40, v44;
	v37 =	vmul.f32 $1.442695020e+00, v49;
	(erf) = vpow2.f32 v36;
	_ =	sdelay $0x1  }
0x65: {  	v35 =	vsub.f32 v35, v44;
	v34 =	vmul.f32 $1.442695020e+00, v50;
	(erf) = vpow2.f32 v37;
	_ =	sdelay $0x1  }
0x66: {  	v51 =	vsub.f32 v45, v44;
	v35 =	vmul.f32 $1.442695020e+00, v35;
	(erf) = vpow2.f32 v34;
	v40 =	vpop (erf)  }
0x67: {  	v52 =	vsub.f32 v46, v44;
	v42 =	vpop (erf)  }
0x68: {  	v36 =	vmul.f32 $1.442695020e+00, v51;
	(erf) = vpow2.f32 v35;
	v53 =	vadd.f32 v42, v40  }
0x69: {  	v54 =	vsub.f32 v59, v44;
	v45 =	vpop (erf)  }
0x6a: {  	v34 =	vmul.f32 $1.442695020e+00, v52;
	(erf) = vpow2.f32 v36;
	v35 =	vadd.f32 v53, v45  }
0x6b: {  	v33 =	vsub.f32 v61, v44;
	v46 =	vpop (erf)  }
0x6c: {  	v55 =	vmul.f32 $1.442695020e+00, v54;
	(erf) = vpow2.f32 v34;
	v56 =	vadd.f32 v35, v46  }
0x6d: {  	v57 =	vsub.f32 v62, v44;
	v48 =	vpop (erf)  }
0x6e: {  	v33 =	vmul.f32 $1.442695020e+00, v33;
	(erf) = vpow2.f32 v55;
	v34 =	vadd.f32 v56, v48  }
0x6f: {  	v58 =	vsub.f32 v47, v44;
	v47 =	vpop (erf)  }
0x70: {  	(erf) = vpow2.f32 v33;
	v35 =	vmul.f32 $1.442695020e+00, v57;
	v59 =	vadd.f32 v34, v47  }
0x71: {  	v49 =	vpop (erf)  }
0x72: {  	(erf) = vpow2.f32 v35;
	v33 =	vadd.f32 v59, v49  }
0x73: {  	v60 =	vsub.f32 v41, v44;
	v36 =	vmul.f32 $1.442695020e+00, v58;
	v50 =	vpop (erf)  }
0x74: {  	v33 =	vadd.f32 v33, v50  }
0x75: {  	v61 =	vsub.f32 v43, v44;
	v34 =	vmul.f32 $1.442695020e+00, v60;
	(erf) = vpow2.f32 v36;
	v63 =	vpop (erf)  }
0x76: {  	v33 =	vadd.f32 v33, v63  }
0x77: {  	v62 =	vsub.f32 v32, v44;
	v35 =	vmul.f32 $1.442695020e+00, v61;
	(erf) = vpow2.f32 v34;
	v32 =	vpop (erf)  }
0x78: {  	v33 =	vadd.f32 v33, v32  }
0x79: {  	v36 =	vmul.f32 $1.442695020e+00, v62;
	(erf) = vpow2.f32 v35;
	v34 =	vpop (erf)  }
0x7a: {  	v33 =	vadd.f32 v33, v34  }
0x7b: {  	(erf) = vpow2.f32 v36;
	v38 =	vpop (erf)  }
0x7c: {  	v33 =	vadd.f32 v33, v38;
	_ =	sdelay $0x1  }
0x7d: {  	v35 =	vpop (erf)  }
0x7e: {  	v58 =	vadd.f32 v33, v35  }
0x7f: {  	v33 =	vpop (erf)  }
0x80: {  	v59 =	vadd.f32 v58, v33  }
0x81: {  	v36 =	vpop (erf)  }
0x82: {  	v60 =	vadd.f32 v59, v36  }
0x83: {  	v37 =	vpop (erf)  }
0x84: {  	v39 =	vadd.f32 v60, v37;
	_ =	sdelay $0x1  }
0x85: {  	(erf) = vrcp.f32 v39;
	_ =	sdelay $0x5  }
0x86: {  	s23 =	sadd.s32 $0x0, s17  }
0x87: {  	v61 =	vor.u32 s23, v0  }
0x88: {  	v62 =	vor.u32 s23, v17  }
0x89: {  	v51 =	vor.u32 s23, v18;
	v39 =	vpop (erf)  }
0x8a: {  	v52 =	vor.u32 s23, v19;
	v53 =	vmul.f32 v39, v40  }
0x8b: {  	v55 =	vor.u32 s23, v20;
	v54 =	vmul.f32 v39, v42  }
0x8c: {  	v43 =	vor.u32 s23, v23;
	v56 =	vmul.f32 v39, v45;
	[tilespmem:v61+s13+$0x0] =	vst.idx.msk $0xffff, v53  }
0x8d: {  	v44 =	vor.u32 s23, v24;
	v42 =	vor.u32 s23, v21;
	v46 =	vmul.f32 v39, v46;
	[tilespmem:v62+s13+$0x0] =	vst.idx.msk $0xffff, v54  }
0x8e: {  	v41 =	vmul.f32 v39, v63;
	v45 =	vor.u32 s23, v22;
	v63 =	vmul.f32 v39, v48;
	[tilespmem:v51+s13+$0x0] =	vst.idx.msk $0xffff, v56  }
0x8f: {  	v40 =	vor.u32 s23, v27;
	v48 =	vmul.f32 v39, v47;
	v49 =	vmul.f32 v39, v49;
	[tilespmem:v52+s13+$0x0] =	vst.idx.msk $0xffff, v46  }
0x90: {  	s21 =	smov.u32 s18;
	s20 =	simm.s32 $0x10;
	v50 =	vmul.f32 v39, v50;
	v47 =	vor.u32 s23, v26;
	v46 =	vor.u32 s23, v25;
	[tilespmem:v55+s13+$0x0] =	vst.idx.msk $0xffff, v63  }
.LBB2_5:
0x91: {  	p0 =	sne.s32 s20, $0x70  }
0x92: {  	[tilespmem:v42+s13+$0x0] =	vst.idx.msk $0xffff, v48;
	s21 =	sadd.s32 $0x10, s21;
	s22 =	smov.u32 s20;
	s20 =	sadd.s32 $0x10, s20  }
0x93: {  	v32 =	vmul.f32 v39, v32;
	v42 =	vor.u32 s23, v28;
	[tilespmem:v45+s13+$0x0] =	vst.idx.msk $0xffff, v49  }
0x94: {  	v34 =	vmul.f32 v39, v34;
	[tilespmem:v43+s13+$0x0] =	vst.idx.msk $0xffff, v50;
	v43 =	vor.u32 s23, v29  }
0x95: {  	v38 =	vmul.f32 v39, v38;
	[tilespmem:v44+s13+$0x0] =	vst.idx.msk $0xffff, v41;
	v41 =	vor.u32 s23, v30  }
0x96: {  	[tilespmem:v46+s13+$0x0] =	vst.idx.msk $0xffff, v32;
	v32 =	vmul.f32 v39, v35;
	v35 =	vor.u32 s23, v31  }
0x97: {  	v33 =	vmul.f32 v39, v33;
	[tilespmem:v47+s13+$0x0] =	vst.idx.msk $0xffff, v34  }
0x98: {  	v34 =	vmul.f32 v39, v36;
	[tilespmem:v40+s13+$0x0] =	vst.idx.msk $0xffff, v38  }
0x99: {  	v36 =	vmov s22;
	[tilespmem:v42+s13+$0x0] =	vst.idx.msk $0xffff, v32;
	v32 =	vmul.f32 v39, v37  }
0x9a: {  	v36 =	vshll.u32 v36, $0x4;
	[tilespmem:v43+s13+$0x0] =	vst.idx.msk $0xffff, v33  }
0x9b: {  	v37 =	vadd.s32 v11, v36;
	v33 =	vadd.s32 v15, v36;
	[tilespmem:v41+s13+$0x0] =	vst.idx.msk $0xffff, v34  }
0x9c: {  	v38 =	vadd.s32 v14, v36;
	v34 =	vor.u32 v1, v36;
	[tilespmem:v35+s13+$0x0] =	vst.idx.msk $0xffff, v32  }
0x9d: {  	v35 =	vadd.s32 v16, v36;
	v32 =	vld [tilespmem:s21+$0x0]  }
0x9e: {  	v39 =	vadd.s32 v12, v36  }
0x9f: {  	v40 =	vadd.s32 v4, v36;
	v41 =	vadd.s32 v3, v36  }
0xa0: {  	v42 =	vadd.s32 v8, v36;
	v44 =	vadd.s32 v2, v36;
	v43 =	vadd.s32 v5, v36  }
0xa1: {  	v45 =	vadd.s32 v9, v36;
	v46 =	vadd.s32 v7, v36;
	v47 =	vadd.s32 v6, v36  }
0xa2: {  	v49 =	vadd.s32 v13, v36;
	v36 =	vadd.s32 v10, v36;
	v48 =	vand.u32 $0x8, v32  }
0xa3: {  	v32 =	vand.u32 $0x7, v32;
	v35 =	vor.u32 v35, v48;
	v49 =	vor.u32 v49, v48  }
0xa4: {  	v34 =	vor.u32 v34, v48;
	v35 =	vor.u32 v32, v35;
	v49 =	vor.u32 v32, v49  }
0xa5: {  	v33 =	vor.u32 v33, v48;
	v38 =	vor.u32 v38, v48;
	v34 =	vor.u32 v32, v34  }
0xa6: {  	v39 =	vor.u32 v39, v48;
	v33 =	vor.u32 v32, v33;
	v38 =	vor.u32 v32, v38  }
0xa7: {  	v37 =	vor.u32 v37, v48;
	v36 =	vor.u32 v36, v48;
	v39 =	vor.u32 v32, v39  }
0xa8: {  	v45 =	vor.u32 v45, v48;
	v37 =	vor.u32 v32, v37;
	v36 =	vor.u32 v32, v36  }
0xa9: {  	v42 =	vor.u32 v42, v48;
	v46 =	vor.u32 v46, v48;
	v45 =	vor.u32 v32, v45;
	v35 =	vld.idx.msk [tilespmem:v35+s11+$0x0], $0xffff  }
0xaa: {  	v47 =	vor.u32 v47, v48;
	v42 =	vor.u32 v32, v42;
	v46 =	vor.u32 v32, v46;
	v34 =	vld.idx.msk [tilespmem:v34+s11+$0x0], $0xffff  }
0xab: {  	v43 =	vor.u32 v43, v48;
	v40 =	vor.u32 v40, v48;
	v47 =	vor.u32 v32, v47;
	v33 =	vld.idx.msk [tilespmem:v33+s11+$0x0], $0xffff  }
0xac: {  	v41 =	vor.u32 v41, v48;
	v43 =	vor.u32 v32, v43;
	v40 =	vor.u32 v32, v40;
	v38 =	vld.idx.msk [tilespmem:v38+s11+$0x0], $0xffff  }
0xad: {  	v44 =	vor.u32 v44, v48;
	v41 =	vor.u32 v32, v41;
	v49 =	vld.idx.msk [tilespmem:v49+s11+$0x0], $0xffff  }
0xae: {  	v32 =	vor.u32 v32, v44;
	v39 =	vld.idx.msk [tilespmem:v39+s11+$0x0], $0xffff  }
0xaf: {  	v37 =	vld.idx.msk [tilespmem:v37+s11+$0x0], $0xffff  }
0xb0: {  	v44 =	vmax.f32 v34, v35;
	v36 =	vld.idx.msk [tilespmem:v36+s11+$0x0], $0xffff  }
0xb1: {  	v44 =	vmax.f32 v44, v33;
	v45 =	vld.idx.msk [tilespmem:v45+s11+$0x0], $0xffff  }
0xb2: {  	v44 =	vmax.f32 v44, v38;
	v42 =	vld.idx.msk [tilespmem:v42+s11+$0x0], $0xffff  }
0xb3: {  	v44 =	vmax.f32 v44, v49;
	v46 =	vld.idx.msk [tilespmem:v46+s11+$0x0], $0xffff  }
0xb4: {  	v44 =	vmax.f32 v44, v39;
	v47 =	vld.idx.msk [tilespmem:v47+s11+$0x0], $0xffff  }
0xb5: {  	v44 =	vmax.f32 v44, v37;
	v43 =	vld.idx.msk [tilespmem:v43+s11+$0x0], $0xffff  }
0xb6: {  	v44 =	vmax.f32 v44, v36;
	v40 =	vld.idx.msk [tilespmem:v40+s11+$0x0], $0xffff  }
0xb7: {  	v44 =	vmax.f32 v44, v45;
	v41 =	vld.idx.msk [tilespmem:v41+s11+$0x0], $0xffff  }
0xb8: {  	v44 =	vmax.f32 v44, v42;
	v32 =	vld.idx.msk [tilespmem:v32+s11+$0x0], $0xffff  }
0xb9: {  	v44 =	vmax.f32 v44, v46  }
0xba: {  	v44 =	vmax.f32 v44, v47  }
0xbb: {  	v44 =	vmax.f32 v44, v43  }
0xbc: {  	v44 =	vmax.f32 v44, v40  }
0xbd: {  	v44 =	vmax.f32 v44, v41  }
0xbe: {  	v44 =	vmax.f32 v44, v32  }
0xbf: {  	v34 =	vsub.f32 v34, v44;
	v35 =	vsub.f32 v35, v44  }
0xc0: {  	v33 =	vsub.f32 v33, v44;
	v38 =	vsub.f32 v38, v44  }
0xc1: {  	v48 =	vsub.f32 v49, v44;
	v34 =	vmul.f32 $1.442695020e+00, v34;
	v35 =	vmul.f32 $1.442695020e+00, v35  }
0xc2: {  	v39 =	vsub.f32 v39, v44;
	v33 =	vmul.f32 $1.442695020e+00, v33;
	v38 =	vmul.f32 $1.442695020e+00, v38  }
0xc3: {  	v37 =	vsub.f32 v37, v44;
	v48 =	vmul.f32 $1.442695020e+00, v48;
	(erf) = vpow2.f32 v34  }
0xc4: {  	v36 =	vsub.f32 v36, v44;
	v34 =	vmul.f32 $1.442695020e+00, v39;
	(erf) = vpow2.f32 v35  }
0xc5: {  	v35 =	vmul.f32 $1.442695020e+00, v37;
	v37 =	vsub.f32 v45, v44;
	(erf) = vpow2.f32 v33  }
0xc6: {  	v39 =	vsub.f32 v46, v44;
	v33 =	vmul.f32 $1.442695020e+00, v36;
	v36 =	vsub.f32 v42, v44  }
0xc7: {  	v42 =	vsub.f32 v47, v44;
	v37 =	vmul.f32 $1.442695020e+00, v37;
	(erf) = vpow2.f32 v38  }
0xc8: {  	v36 =	vmul.f32 $1.442695020e+00, v36;
	v38 =	vmul.f32 $1.442695020e+00, v39;
	v39 =	vsub.f32 v43, v44  }
0xc9: {  	v40 =	vsub.f32 v40, v44;
	v42 =	vmul.f32 $1.442695020e+00, v42;
	(erf) = vpow2.f32 v48  }
0xca: {  	v41 =	vsub.f32 v41, v44;
	v32 =	vsub.f32 v32, v44;
	v39 =	vmul.f32 $1.442695020e+00, v39  }
0xcb: {  	v40 =	vmul.f32 $1.442695020e+00, v40;
	(erf) = vpow2.f32 v34  }
0xcc: {  	v34 =	vmul.f32 $1.442695020e+00, v41;
	v41 =	vmul.f32 $1.442695020e+00, v32;
	v43 =	vpop (erf)  }
0xcd: {  	v44 =	vpop (erf);
	(erf) = vpow2.f32 v35  }
0xce: {  	v32 =	vadd.f32 v44, v43;
	v45 =	vpop (erf)  }
0xcf: {  	(erf) = vpow2.f32 v33  }
0xd0: {  	v32 =	vadd.f32 v32, v45;
	v46 =	vpop (erf)  }
0xd1: {  	(erf) = vpow2.f32 v37  }
0xd2: {  	v32 =	vadd.f32 v32, v46;
	v47 =	vpop (erf)  }
0xd3: {  	(erf) = vpow2.f32 v36  }
0xd4: {  	v32 =	vadd.f32 v32, v47;
	v48 =	vpop (erf)  }
0xd5: {  	(erf) = vpow2.f32 v38  }
0xd6: {  	v32 =	vadd.f32 v32, v48;
	v49 =	vpop (erf)  }
0xd7: {  	(erf) = vpow2.f32 v42  }
0xd8: {  	v32 =	vadd.f32 v32, v49;
	v50 =	vpop (erf)  }
0xd9: {  	(erf) = vpow2.f32 v39  }
0xda: {  	v35 =	vadd.f32 v32, v50;
	v51 =	vpop (erf)  }
0xdb: {  	(erf) = vpow2.f32 v40  }
0xdc: {  	v33 =	vadd.f32 v35, v51;
	v32 =	vpop (erf)  }
0xdd: {  	(erf) = vpow2.f32 v34  }
0xde: {  	v33 =	vadd.f32 v33, v32;
	v34 =	vpop (erf)  }
0xdf: {  	(erf) = vpow2.f32 v41  }
0xe0: {  	v33 =	vadd.f32 v33, v34;
	v38 =	vpop (erf);
	_ =	sdelay $0x1  }
0xe1: {  	v37 =	vadd.f32 v33, v38;
	v35 =	vpop (erf);
	_ =	sdelay $0x1  }
0xe2: {  	v39 =	vadd.f32 v37, v35;
	v33 =	vpop (erf);
	_ =	sdelay $0x1  }
0xe3: {  	v40 =	vadd.f32 v39, v33;
	v36 =	vpop (erf);
	_ =	sdelay $0x1  }
0xe4: {  	v39 =	vadd.f32 v40, v36;
	v37 =	vpop (erf);
	_ =	sdelay $0x1  }
0xe5: {  	v39 =	vadd.f32 v39, v37;
	_ =	sdelay $0x1  }
0xe6: {  	(erf) = vrcp.f32 v39;
	_ =	sdelay $0x4  }
0xe7: {  	s23 =	sadd.s32 s22, s17  }
0xe8: {  	v52 =	vor.u32 s23, v0;
	v40 =	vor.u32 s23, v27  }
0xe9: {  	v53 =	vor.u32 s23, v17  }
0xea: {  	v54 =	vor.u32 s23, v18  }
0xeb: {  	v55 =	vor.u32 s23, v19;
	v39 =	vpop (erf)  }
0xec: {  	v56 =	vor.u32 s23, v20;
	v43 =	vmul.f32 v39, v43;
	v44 =	vmul.f32 v39, v44  }
0xed: {  	v42 =	vor.u32 s23, v21;
	v57 =	vmul.f32 v39, v45;
	v41 =	vmul.f32 v39, v51  }
.Ltmp1:
0xee: {  	v46 =	vmul.f32 v39, v46;
	v45 =	vor.u32 s23, v22;
	[tilespmem:v52+s13+$0x0] =	vst.idx.msk $0xffff, v43;
	(pc) =	sbr.rel @p0 .LBB2_5-.Ltmp1, $4  }
0xef: {  	v47 =	vmul.f32 v39, v47;
	v43 =	vor.u32 s23, v23;
	[tilespmem:v53+s13+$0x0] =	vst.idx.msk $0xffff, v44  }
0xf0: {  	v48 =	vmul.f32 v39, v48;
	v44 =	vor.u32 s23, v24;
	[tilespmem:v54+s13+$0x0] =	vst.idx.msk $0xffff, v57  }
0xf1: {  	v49 =	vmul.f32 v39, v49;
	[tilespmem:v55+s13+$0x0] =	vst.idx.msk $0xffff, v46;
	v46 =	vor.u32 s23, v25  }
0xf2: {  	v50 =	vmul.f32 v39, v50;
	[tilespmem:v56+s13+$0x0] =	vst.idx.msk $0xffff, v47;
	v47 =	vor.u32 s23, v26  }
0xf3: {  	_ =	sdelay $0x3  }
0xf4: {  	[tilespmem:v42+s13+$0x0] =	vst.idx.msk $0xffff, v48  }
0xf5: {  	[tilespmem:v45+s13+$0x0] =	vst.idx.msk $0xffff, v49  }
0xf6: {  	v32 =	vmul.f32 v39, v32;
	v57 =	vor.u32 s23, v28;
	[tilespmem:v43+s13+$0x0] =	vst.idx.msk $0xffff, v50  }
0xf7: {  	v34 =	vmul.f32 v39, v34;
	v58 =	vor.u32 s23, v29;
	[tilespmem:v44+s13+$0x0] =	vst.idx.msk $0xffff, v41  }
0xf8: {  	v38 =	vmul.f32 v39, v38;
	v59 =	vor.u32 s23, v30;
	s19 =	sadd.s32 $0x1, s19;
	[tilespmem:v46+s13+$0x0] =	vst.idx.msk $0xffff, v32  }
0xf9: {  	v60 =	vmul.f32 v39, v35;
	v61 =	vor.u32 s23, v31;
	p0 =	sne.s32 s19, $0x4;
	[tilespmem:v47+s13+$0x0] =	vst.idx.msk $0xffff, v34  }
.Ltmp2:
0xfa: {  	v33 =	vmul.f32 v39, v33;
	[tilespmem:v40+s13+$0x0] =	vst.idx.msk $0xffff, v38;
	(pc) =	sbr.rel @p0 .LBB2_2-.Ltmp2, $4  }
0xfb: {  	v62 =	vmul.f32 v39, v36;
	[tilespmem:v57+s13+$0x0] =	vst.idx.msk $0xffff, v60  }
0xfc: {  	v63 =	vmul.f32 v39, v37;
	[tilespmem:v58+s13+$0x0] =	vst.idx.msk $0xffff, v33  }
0xfd: {  	[tilespmem:v59+s13+$0x0] =	vst.idx.msk $0xffff, v62  }
0xfe: {  	s18 =	sadd.s32 $0x80, s18;
	s17 =	sadd.s32 $0x80, s17;
	[tilespmem:v61+s13+$0x0] =	vst.idx.msk $0xffff, v63  }
0xff: {  	[hbm4b:s5+s10] =	stream.strided.scatter [tilespmem:s13], [sflag:$0x2], $0x1000, s14, s10, $0x38;
	[tilespmem:$0xAA00] =	vst v63  }
0x100: {  	s16 =	sadd.s32 $0x1, s16;
	_ =	swait.ge [sflag:s8], $0x1000  }
0x101: {  	p0 =	sne.s32 s16, s7;
	[sflag:s8] =	ssyncset.done $0x0  }
.Ltmp3:
0x102: {  	[sflag:s8] =	ssyncadd.s32 $0xFFFFF000;
	(pc) =	sbr.rel @p0 .LBB2_1-.Ltmp3, $4  }
0x103: {  	[hbm4b:s6+s10] =	stream.strided.scatter [tilespmem:s15], [sflag:$0x2], $0x1000, s14, s10, $0x38;
	[tilespmem:$0xAA00] =	vst v63  }
0x104: {  	_ =	swait.ge [sflag:s8], $0x1000  }
0x105: {  	[sflag:s8] =	ssyncset.done $0x0  }
0x106: {  	[sflag:s8] =	ssyncadd.s32 $0xFFFFF000  }
0x107: {  	_ =	sfence.sel $0x180000  }
0x108: {  	[bflag:$0x0] =	sbarrier.arrive $0xFFFF  }
0x109: {  	p0 =	sne.s32 s2, $0x0;
	_ =	strace $0x9000004A  }
0x10a: {  	s0 =	sadd.s32 @!p0 $0x100000, s0;
	[bflag:$0x2] =	sbarrier.arrive $0xFFFF  }
0x10b: {  	[sflag:s0] =	ssyncadd.tile.s32 @!p0 $0x1;
	_ =	shalt  }
.Lfunc_end2:
_tile_overlayer_lowered:
.L_overlay_start_2:
0x10c: {  	(tag) =	ssettag $0x2  }
0x10d: {  	s0 =	rddreg [dreg:$0x0];
	s2 =	stileid.u32  }
0x10e: {  	s1 =	rddreg [dreg:$0x1];
	p0 =	sne.s32 s2, $0x0  }
0x10f: {  	s3 =	rddreg [dreg:$0x2];
	[bflag:$0x3] =	sbarrier.arrive $0xFFFF;
	s2 =	simm.s32 @!p0 $0x1C02  }
0x110: {  	[timem:s3], [sflag:s2] =	dma.local @!p0 [hbm:s0], s1  }
0x111: {  	s0 =	simm.s32 @!p0 $0x2  }
0x112: {  	_ =	swait.ge @!p0 [sflag:s0], s1  }
0x113: {  	s1 =	ssub.s32 @!p0 $0x0, s1;
	[sflag:s0] =	ssyncset.done @!p0 $0x0  }
0x114: {  	[sflag:s0] =	ssyncadd.s32 @!p0 s1  }
0x115: {  	[bflag:$0x3] =	sbarrier.arrive $0xFFFF  }
0x116: {  	_ =	shalt  }

</sc_bundles>
